<compile_context>
chip_gen: v7x
topology: tpu7x:2x2x1
jax: 0.10.2.dev20260603
libtpu: 0.0.44.dev20260713+nightly
codegen_flags: <defaults>
</compile_context>

<pallas_src>
import functools

import jax
import jax.numpy as jnp
from jax import lax
from jax.experimental import pallas as pl
from jax.experimental.pallas import tpu as pltpu
from jax.experimental.pallas import tpu_sc as plsc

N = 10000
E = 320000
D = 128
NCLS = 40

NC = 2
NS = 16
NW = NC * NS
L = 16

NPAD = 10112
DUMP = N
EB = 128
EPW_H = E // NW
E_PAD = ((E + 2 * NW * EB - 1) // (2 * NW * EB)) * 2 * NW * EB
EPW = E_PAD // NW
BPW = EPW // EB
TB = E_PAD // EB
RPT = NPAD // NS

BR = 128
GRID = NPAD // BR

_MESH = plsc.VectorSubcoreMesh(core_axis_name="c", subcore_axis_name="s")


def _hist_body(dst_hbm, zcol_hbm, out_hbm, dst_v, hist_v):
    c = lax.axis_index("c")
    s = lax.axis_index("s")
    wid = s * NC + c
    pltpu.sync_copy(zcol_hbm, hist_v)
    pltpu.sync_copy(dst_hbm.at[pl.ds(wid * EPW_H, EPW_H)], dst_v)
    ones = jnp.full((L,), 1.0, jnp.float32)

    @pl.loop(0, EPW_H // L)
    def _(i):
        d = dst_v[pl.ds(i * L, L)]
        plsc.addupdate_scatter(hist_v, [d], ones)

    pltpu.sync_copy(hist_v, out_hbm.at[wid])


def _hist_call(dst):
    zcol = jnp.zeros((NPAD,), jnp.float32)
    return pl.kernel(
        _hist_body,
        out_type=jax.ShapeDtypeStruct((NW, NPAD), jnp.float32),
        mesh=_MESH,
        scratch_types=[
            pltpu.VMEM((EPW_H,), jnp.int32),
            pltpu.VMEM((NPAD,), jnp.float32),
        ],
        compiler_params=pltpu.CompilerParams(needs_layout_passes=False),
    )(dst, zcol)


def _pass_body(table_hbm, pidx_hbm, zrows_hbm, out_hbm,
               pidx_v, sxA, dxA, sxB, dxB, rows0, rows1, acc,
               sem_g0, sem_g1, sem_s0, sem_s1):
    c = lax.axis_index("c")
    s = lax.axis_index("s")
    wid = s * NC + c
    pltpu.sync_copy(pidx_hbm.at[pl.ds(wid * BPW, BPW)], pidx_v)
    pltpu.sync_copy(zrows_hbm.at[pl.ds(s * RPT, RPT)], acc.at[pl.ds(s * RPT, RPT)])

    def unpack(b, sref, dref):
        for k in range(EB // L):
            v = pidx_v[b, pl.ds(k * L, L)]
            sref[pl.ds(k * L, L)] = v & 0xFFFF
            dref[pl.ds(k * L, L)] = lax.shift_right_logical(v, 16)

    plsc.subcore_barrier()

    unpack(0, sxA, dxA)
    pltpu.async_copy(table_hbm.at[sxA], rows0, sem_g0)

    @pl.loop(0, BPW // 2)
    def _(t):
        b0 = 2 * t

        pltpu.make_async_copy(table_hbm.at[sxA], rows0, sem_g0).wait()

        @pl.when(t > 0)
        def _():
            pltpu.make_async_copy(rows1, acc.at[dxB], sem_s1).wait()

        unpack(b0 + 1, sxB, dxB)
        pltpu.async_copy(table_hbm.at[sxB], rows1, sem_g1)
        pltpu.async_copy(rows0, acc.at[dxA], sem_s0, add=True)

        pltpu.make_async_copy(table_hbm.at[sxB], rows1, sem_g1).wait()

        @pl.when(t < BPW // 2 - 1)
        def _():
            pltpu.make_async_copy(rows0, acc.at[dxA], sem_s0).wait()
            unpack(b0 + 2, sxA, dxA)
            pltpu.async_copy(table_hbm.at[sxA], rows0, sem_g0)

        pltpu.async_copy(rows1, acc.at[dxB], sem_s1, add=True)

    pltpu.make_async_copy(rows0, acc.at[dxA], sem_s0).wait()
    pltpu.make_async_copy(rows1, acc.at[dxB], sem_s1).wait()
    plsc.subcore_barrier()
    pltpu.sync_copy(acc.at[pl.ds(s * RPT, RPT)],
                    out_hbm.at[c, pl.ds(s * RPT, RPT)])


def _pass_call(table, pidx, zrows):
    return pl.kernel(
        _pass_body,
        out_type=jax.ShapeDtypeStruct((NC, NPAD, D), jnp.float32),
        mesh=_MESH,
        scratch_types=[
            pltpu.VMEM((BPW, EB), jnp.int32),
            pltpu.VMEM((EB,), jnp.int32),
            pltpu.VMEM((EB,), jnp.int32),
            pltpu.VMEM((EB,), jnp.int32),
            pltpu.VMEM((EB,), jnp.int32),
            pltpu.VMEM((EB, D), jnp.float32),
            pltpu.VMEM((EB, D), jnp.float32),
            pltpu.VMEM_SHARED((NPAD, D), jnp.float32),
            pltpu.SemaphoreType.DMA,
            pltpu.SemaphoreType.DMA,
            pltpu.SemaphoreType.DMA,
            pltpu.SemaphoreType.DMA,
        ],
    )(table, pidx, zrows)


def _prep_body(parts_ref, x_ref, dinv_ref, xs_ref):
    deg = 1.0 + jnp.sum(parts_ref[...], axis=0)
    dinv = lax.rsqrt(deg)
    dinv_ref[...] = dinv
    xs_ref[...] = x_ref[...] * dinv


def _prep_call(hist_parts, x_pad):
    return pl.pallas_call(
        _prep_body,
        grid=(GRID,),
        in_specs=[
            pl.BlockSpec((NW, BR, 1), lambda i: (0, i, 0)),
            pl.BlockSpec((BR, D), lambda i: (i, 0)),
        ],
        out_specs=[
            pl.BlockSpec((BR, 1), lambda i: (i, 0)),
            pl.BlockSpec((BR, D), lambda i: (i, 0)),
        ],
        out_shape=[
            jax.ShapeDtypeStruct((NPAD, 1), jnp.float32),
            jax.ShapeDtypeStruct((NPAD, D), jnp.float32),
        ],
    )(hist_parts, x_pad)


def _combine1_body(parts_ref, x_ref, dinv_ref, w_ref, b_ref, z_ref, zs_ref):
    dinv = dinv_ref[...]
    p = parts_ref[0] + parts_ref[1]
    pre = dinv * p + (dinv * dinv) * x_ref[...]
    g = jnp.dot(pre, w_ref[...], preferred_element_type=jnp.float32) + b_ref[...]
    z = jnp.maximum(g, 0.0)
    z_ref[...] = z
    zs_ref[...] = dinv * z


def _combine1_call(parts, x_pad, dinv, W1, b1):
    return pl.pallas_call(
        _combine1_body,
        grid=(GRID,),
        in_specs=[
            pl.BlockSpec((NC, BR, D), lambda i: (0, i, 0)),
            pl.BlockSpec((BR, D), lambda i: (i, 0)),
            pl.BlockSpec((BR, 1), lambda i: (i, 0)),
            pl.BlockSpec((D, D), lambda i: (0, 0)),
            pl.BlockSpec((1, D), lambda i: (0, 0)),
        ],
        out_specs=[
            pl.BlockSpec((BR, D), lambda i: (i, 0)),
            pl.BlockSpec((BR, D), lambda i: (i, 0)),
        ],
        out_shape=[
            jax.ShapeDtypeStruct((NPAD, D), jnp.float32),
            jax.ShapeDtypeStruct((NPAD, D), jnp.float32),
        ],
    )(parts, x_pad, dinv, W1, b1.reshape(1, D))


def _combine2_body(parts_ref, z1_ref, dinv_ref, w2_ref, b2_ref,
                   w3_ref, b3_ref, w4_ref, b4_ref, out_ref):
    dinv = dinv_ref[...]
    p = parts_ref[0] + parts_ref[1]
    pre = dinv * p + (dinv * dinv) * z1_ref[...]
    g2 = jnp.dot(pre, w2_ref[...], preferred_element_type=jnp.float32) + b2_ref[...]
    h = jnp.maximum(
        jnp.dot(g2, w3_ref[...], preferred_element_type=jnp.float32) + b3_ref[...],
        0.0)
    out_ref[...] = (jnp.dot(h, w4_ref[...], preferred_element_type=jnp.float32)
                    + b4_ref[...])


def _combine2_call(parts, z1, dinv, W2, b2, W3, b3, W4, b4):
    return pl.pallas_call(
        _combine2_body,
        grid=(GRID,),
        in_specs=[
            pl.BlockSpec((NC, BR, D), lambda i: (0, i, 0)),
            pl.BlockSpec((BR, D), lambda i: (i, 0)),
            pl.BlockSpec((BR, 1), lambda i: (i, 0)),
            pl.BlockSpec((D, D), lambda i: (0, 0)),
            pl.BlockSpec((1, D), lambda i: (0, 0)),
            pl.BlockSpec((D, D), lambda i: (0, 0)),
            pl.BlockSpec((1, D), lambda i: (0, 0)),
            pl.BlockSpec((D, NCLS), lambda i: (0, 0)),
            pl.BlockSpec((1, NCLS), lambda i: (0, 0)),
        ],
        out_specs=[pl.BlockSpec((BR, NCLS), lambda i: (i, 0))],
        out_shape=[jax.ShapeDtypeStruct((NPAD, NCLS), jnp.float32)],
    )(parts, z1, dinv, W2, b2.reshape(1, D), W3, b3.reshape(1, D),
      W4, b4.reshape(1, NCLS))


def kernel(x, edge_index, W1, b1, W2, b2, W3, b3, W4, b4):
    src = edge_index[0]
    dst = edge_index[1]
    pad = jnp.full((E_PAD - E,), DUMP, jnp.int32)
    src_p = jnp.concatenate([src, pad])
    dst_p = jnp.concatenate([dst, pad])
    pidx = (src_p | (dst_p << 16)).reshape(TB, EB)
    x_pad = jnp.pad(x, ((0, NPAD - N), (0, 0)))
    zrows = jnp.zeros((NPAD, D), jnp.float32)

    hist_parts = _hist_call(dst).reshape(NW, NPAD, 1)
    dinv, xs1 = _prep_call(hist_parts, x_pad)

    parts1 = _pass_call(xs1, pidx, zrows)
    z1, z1s = _combine1_call(parts1, x_pad, dinv, W1, b1)

    parts2 = _pass_call(z1s, pidx, zrows)
    out_pad, = _combine2_call(parts2, z1, dinv, W2, b2, W3, b3, W4, b4)
    return out_pad[:N]

# --- scband reference (transcript-rebuilt; emitter-appended) ---
"""Pipeline reference for scband-supervised-model-19911468384615 (READ-ONLY COPY).

The authoritative reference and input builder live on the scoring server;
editing this copy changes nothing except your own understanding.
"""

import jax, jax.numpy as jnp
import numpy as np

N_NODES = 10000
N_EDGES = 320000
D_IN = 128
D_PROJ = 128
D_HID = 128
N_CLS = 40


def gcn_conv(x, edge_index, W, b, n):
    # PyG GCNConv with add_self_loops=True, normalize=True (gcn_norm)
    src = edge_index[0]
    dst = edge_index[1]
    loop = jnp.arange(n, dtype=edge_index.dtype)
    src2 = jnp.concatenate([src, loop])
    dst2 = jnp.concatenate([dst, loop])
    w = jnp.ones(src2.shape[0], dtype=x.dtype)
    deg = jax.ops.segment_sum(w, dst2, num_segments=n)
    dinv = jnp.where(deg > 0, 1.0 / jnp.sqrt(deg), 0.0)
    norm = dinv[src2] * dinv[dst2]
    h = x @ W
    msg = h[src2] * norm[:, None]          # gather (SparseCore-friendly)
    out = jax.ops.segment_sum(msg, dst2, num_segments=n)  # scatter-add
    return out + b


def setup_inputs(seed: int = 0) -> dict:
    key = jax.random.key(seed)
    ks = jax.random.split(key, 10)
    x = jax.random.normal(ks[0], (N_NODES, D_IN), dtype=jnp.float32)
    edge_index = jax.random.randint(ks[1], (2, N_EDGES), 0, N_NODES, dtype=jnp.int32)
    W1 = jax.random.normal(ks[2], (D_IN, D_PROJ), dtype=jnp.float32) * (1.0 / np.sqrt(D_IN))
    b1 = jnp.zeros((D_PROJ,), dtype=jnp.float32)
    W2 = jax.random.normal(ks[3], (D_PROJ, D_HID), dtype=jnp.float32) * (1.0 / np.sqrt(D_PROJ))
    b2 = jnp.zeros((D_HID,), dtype=jnp.float32)
    W3 = jax.random.normal(ks[4], (D_HID, D_PROJ), dtype=jnp.float32) * (1.0 / np.sqrt(D_HID))
    b3 = jnp.zeros((D_PROJ,), dtype=jnp.float32)
    W4 = jax.random.normal(ks[5], (D_PROJ, N_CLS), dtype=jnp.float32) * (1.0 / np.sqrt(D_PROJ))
    b4 = jnp.zeros((N_CLS,), dtype=jnp.float32)
    return {"x": x, "edge_index": edge_index, "W1": W1, "b1": b1, "W2": W2, "b2": b2,
            "W3": W3, "b3": b3, "W4": W4, "b4": b4}


def reference(x, edge_index, W1, b1, W2, b2, W3, b3, W4, b4):
    n = x.shape[0]
    # encoder: GCNConv -> ReLU -> GCNConv
    z = gcn_conv(x, edge_index, W1, b1, n)
    z = jax.nn.relu(z)
    z = gcn_conv(z, edge_index, W2, b2, n)
    # clf head: Linear -> ReLU -> Linear
    z = z @ W3 + b3
    z = jax.nn.relu(z)
    z = z @ W4 + b4
    return z

if __name__ == "__main__":
    import jax
    _d = setup_inputs()
    print(jax.jit(kernel)(*tuple(_d.values())))

</pallas_src>

<mosaic_0001>
#map = affine_map<(d0, d1) -> (0)>
#map1 = affine_map<(d0, d1) -> (0, 0)>
module attributes {stable_mosaic.version = 14 : i64} {
  func.func @_hist_body(%arg0: i32, %arg1: i32, %arg2: memref<320000xi32, #tpu.memory_space<hbm>>, %arg3: memref<10112xf32, #tpu.memory_space<hbm>>, %arg4: memref<32x10112xf32, #tpu.memory_space<hbm>>, %arg5: memref<10000xi32, #tpu.memory_space<vmem>>, %arg6: memref<10112xf32, #tpu.memory_space<vmem>>) attributes {dimension_semantics = [#tpu.dimension_semantics<core_parallel>, #tpu.dimension_semantics<subcore_parallel>], iteration_bounds = array<i64: 2, 16>, scalar_prefetch = 0 : i64, scratch_operands = 2 : i64, tpu.core_type = #tpu.core_type<sc_vector_subcore>, window_params = [{transform_indices = #map}, {transform_indices = #map}, {transform_indices = #map1}]} {
    %mul3A = arith.constant 2 : i32
    %mul3A_0 = arith.muli %arg1, %mul3A : i32
    %add3A = arith.addi %mul3A_0, %arg0 : i32
    "tpu.region"() ({
      %run_scoped3A = tpu.sem_alloc : memref<!tpu.dma_semaphore, #tpu.memory_space<semaphore_mem>>
      tpu.enqueue_dma source(%arg3 : memref<10112xf32, #tpu.memory_space<hbm>>) target(%arg6 : memref<10112xf32, #tpu.memory_space<vmem>>) target_semaphore(%run_scoped3A : memref<!tpu.dma_semaphore, #tpu.memory_space<semaphore_mem>>)
      tpu.wait_dma2 semaphore(%run_scoped3A : memref<!tpu.dma_semaphore, #tpu.memory_space<semaphore_mem>>) src(%arg3 : memref<10112xf32, #tpu.memory_space<hbm>>) dst(%arg6 : memref<10112xf32, #tpu.memory_space<vmem>>)
      tpu.yield
    }) : () -> ()
    %mul3A_1 = arith.constant 10000 : i32
    %mul3A_2 = arith.muli %add3A, %mul3A_1 : i32
    "tpu.region"() ({
      %run_scoped3A = tpu.sem_alloc : memref<!tpu.dma_semaphore, #tpu.memory_space<semaphore_mem>>
      %dma_start3A = tpu.memref_slice %arg2[%mul3A_2] : memref<320000xi32, #tpu.memory_space<hbm>> -> memref<10000xi32, #tpu.memory_space<hbm>>
      %dma_start3A_8 = tpu.memref_slice %arg2[%mul3A_2] : memref<320000xi32, #tpu.memory_space<hbm>> -> memref<10000xi32, #tpu.memory_space<hbm>>
      tpu.enqueue_dma source(%dma_start3A_8 : memref<10000xi32, #tpu.memory_space<hbm>>) target(%arg5 : memref<10000xi32, #tpu.memory_space<vmem>>) target_semaphore(%run_scoped3A : memref<!tpu.dma_semaphore, #tpu.memory_space<semaphore_mem>>)
      %dma_wait3A = tpu.memref_slice %arg2[%mul3A_2] : memref<320000xi32, #tpu.memory_space<hbm>> -> memref<10000xi32, #tpu.memory_space<hbm>>
      %dma_wait3A_9 = tpu.memref_slice %arg2[%mul3A_2] : memref<320000xi32, #tpu.memory_space<hbm>> -> memref<10000xi32, #tpu.memory_space<hbm>>
      tpu.wait_dma2 semaphore(%run_scoped3A : memref<!tpu.dma_semaphore, #tpu.memory_space<semaphore_mem>>) src(%dma_wait3A_9 : memref<10000xi32, #tpu.memory_space<hbm>>) dst(%arg5 : memref<10000xi32, #tpu.memory_space<vmem>>)
      tpu.yield
    }) : () -> ()
    %broadcast_in_dim3A = arith.constant 1.000000e+00 : f32
    %broadcast_in_dim3A_3 = vector.broadcast %broadcast_in_dim3A : f32 to vector<16xf32>
    %scan3A = arith.constant 0 : i32
    %scan3A_4 = arith.constant 625 : i32
    %scan3A_5 = arith.addi %scan3A, %scan3A_4 : i32
    %scan3A_6 = arith.constant 1 : i32
    scf.for %scan3A_8 = %scan3A to %scan3A_5 step %scan3A_6  : i32 {
      %mul3A_9 = arith.constant 1 : i32
      %mul3A_10 = arith.muli %scan3A_8, %mul3A_9 : i32
      %add3A_11 = arith.constant 0 : i32
      %add3A_12 = arith.addi %add3A_11, %mul3A_10 : i32
      %mul3A_13 = arith.constant 16 : i32
      %mul3A_14 = arith.muli %add3A_12, %mul3A_13 : i32
      %get3A = arith.index_cast %mul3A_14 : i32 to index
      %get3A_15 = tpu.vector_load %arg5[%get3A] {strides = array<i32>} : memref<10000xi32, #tpu.memory_space<vmem>>, vector<16xi32>,
      tpu.vector_store_idx %arg6[%get3A_15], %broadcast_in_dim3A_3 {add = true} : memref<10112xf32, #tpu.memory_space<vmem>>[vector<16xi32>], vector<16xf32>,
    }
    %scan3A_7 = arith.constant 625 : i32
    "tpu.region"() ({
      %run_scoped3A = tpu.sem_alloc : memref<!tpu.dma_semaphore, #tpu.memory_space<semaphore_mem>>
      %dma_start3A = arith.constant 0 : i32
      %dma_start3A_8 = tpu.memref_slice %arg4[%add3A, %dma_start3A] : memref<32x10112xf32, #tpu.memory_space<hbm>> -> memref<1x10112xf32, #tpu.memory_space<hbm>>
      %dma_start3A_9 = tpu.memref_squeeze %dma_start3A_8 : memref<1x10112xf32, #tpu.memory_space<hbm>> -> memref<10112xf32, #tpu.memory_space<hbm>>
      %dma_start3A_10 = arith.constant 0 : i32
      %dma_start3A_11 = tpu.memref_slice %arg4[%add3A, %dma_start3A_10] : memref<32x10112xf32, #tpu.memory_space<hbm>> -> memref<1x10112xf32, #tpu.memory_space<hbm>>
      %dma_start3A_12 = tpu.memref_squeeze %dma_start3A_11 : memref<1x10112xf32, #tpu.memory_space<hbm>> -> memref<10112xf32, #tpu.memory_space<hbm>>
      tpu.enqueue_dma source(%arg6 : memref<10112xf32, #tpu.memory_space<vmem>>) target(%dma_start3A_12 : memref<10112xf32, #tpu.memory_space<hbm>>) target_semaphore(%run_scoped3A : memref<!tpu.dma_semaphore, #tpu.memory_space<semaphore_mem>>)
      %dma_wait3A = arith.constant 0 : i32
      %dma_wait3A_13 = tpu.memref_slice %arg4[%add3A, %dma_wait3A] : memref<32x10112xf32, #tpu.memory_space<hbm>> -> memref<1x10112xf32, #tpu.memory_space<hbm>>
      %dma_wait3A_14 = tpu.memref_squeeze %dma_wait3A_13 : memref<1x10112xf32, #tpu.memory_space<hbm>> -> memref<10112xf32, #tpu.memory_space<hbm>>
      %dma_wait3A_15 = arith.constant 0 : i32
      %dma_wait3A_16 = tpu.memref_slice %arg4[%add3A, %dma_wait3A_15] : memref<32x10112xf32, #tpu.memory_space<hbm>> -> memref<1x10112xf32, #tpu.memory_space<hbm>>
      %dma_wait3A_17 = tpu.memref_squeeze %dma_wait3A_16 : memref<1x10112xf32, #tpu.memory_space<hbm>> -> memref<10112xf32, #tpu.memory_space<hbm>>
      tpu.wait_dma2 semaphore(%run_scoped3A : memref<!tpu.dma_semaphore, #tpu.memory_space<semaphore_mem>>) src(%arg6 : memref<10112xf32, #tpu.memory_space<vmem>>) dst(%dma_wait3A_17 : memref<10112xf32, #tpu.memory_space<hbm>>)
      tpu.yield
    }) : () -> ()
    return
  }
}

#map = affine_map<(d0, d1) -> (0, 0)>
#map1 = affine_map<(d0, d1) -> (0, 0, 0)>
module attributes {stable_mosaic.version = 14 : i64} {
  func.func @_pass_body(%arg0: i32, %arg1: i32, %arg2: memref<10112x128xf32, #tpu.memory_space<hbm>>, %arg3: memref<2560x128xi32, #tpu.memory_space<hbm>>, %arg4: memref<10112x128xf32, #tpu.memory_space<hbm>>, %arg5: memref<2x10112x128xf32, #tpu.memory_space<hbm>>, %arg6: memref<80x128xi32, #tpu.memory_space<vmem>>, %arg7: memref<128xi32, #tpu.memory_space<vmem>>, %arg8: memref<128xi32, #tpu.memory_space<vmem>>, %arg9: memref<128xi32, #tpu.memory_space<vmem>>, %arg10: memref<128xi32, #tpu.memory_space<vmem>>, %arg11: memref<128x128xf32, #tpu.memory_space<vmem>>, %arg12: memref<128x128xf32, #tpu.memory_space<vmem>>, %arg13: memref<10112x128xf32, #tpu.memory_space<vmem_shared>>, %arg14: memref<!tpu.dma_semaphore, #tpu.memory_space<semaphore_mem>>, %arg15: memref<!tpu.dma_semaphore, #tpu.memory_space<semaphore_mem>>, %arg16: memref<!tpu.dma_semaphore, #tpu.memory_space<semaphore_mem>>, %arg17: memref<!tpu.dma_semaphore, #tpu.memory_space<semaphore_mem>>) attributes {dimension_semantics = [#tpu.dimension_semantics<core_parallel>, #tpu.dimension_semantics<subcore_parallel>], iteration_bounds = array<i64: 2, 16>, scalar_prefetch = 0 : i64, scratch_operands = 12 : i64, tpu.core_type = #tpu.core_type<sc_vector_subcore>, window_params = [{transform_indices = #map}, {transform_indices = #map}, {transform_indices = #map}, {transform_indices = #map1}]} {
    %mul3A = arith.constant 2 : i32
    %mul3A_0 = arith.muli %arg1, %mul3A : i32
    %add3A = arith.addi %mul3A_0, %arg0 : i32
    %mul3A_1 = arith.constant 80 : i32
    %mul3A_2 = arith.muli %add3A, %mul3A_1 : i32
    "tpu.region"() ({
      %run_scoped3A = tpu.sem_alloc : memref<!tpu.dma_semaphore, #tpu.memory_space<semaphore_mem>>
      %dma_start3A_171 = arith.constant 0 : i32
      %dma_start3A_172 = tpu.memref_slice %arg3[%mul3A_2, %dma_start3A_171] : memref<2560x128xi32, #tpu.memory_space<hbm>> -> memref<80x128xi32, #tpu.memory_space<hbm>>
      %dma_start3A_173 = arith.constant 0 : i32
      %dma_start3A_174 = tpu.memref_slice %arg3[%mul3A_2, %dma_start3A_173] : memref<2560x128xi32, #tpu.memory_space<hbm>> -> memref<80x128xi32, #tpu.memory_space<hbm>>
      tpu.enqueue_dma source(%dma_start3A_174 : memref<80x128xi32, #tpu.memory_space<hbm>>) target(%arg6 : memref<80x128xi32, #tpu.memory_space<vmem>>) target_semaphore(%run_scoped3A : memref<!tpu.dma_semaphore, #tpu.memory_space<semaphore_mem>>)
      %dma_wait3A_175 = arith.constant 0 : i32
      %dma_wait3A_176 = tpu.memref_slice %arg3[%mul3A_2, %dma_wait3A_175] : memref<2560x128xi32, #tpu.memory_space<hbm>> -> memref<80x128xi32, #tpu.memory_space<hbm>>
      %dma_wait3A_177 = arith.constant 0 : i32
      %dma_wait3A_178 = tpu.memref_slice %arg3[%mul3A_2, %dma_wait3A_177] : memref<2560x128xi32, #tpu.memory_space<hbm>> -> memref<80x128xi32, #tpu.memory_space<hbm>>
      tpu.wait_dma2 semaphore(%run_scoped3A : memref<!tpu.dma_semaphore, #tpu.memory_space<semaphore_mem>>) src(%dma_wait3A_178 : memref<80x128xi32, #tpu.memory_space<hbm>>) dst(%arg6 : memref<80x128xi32, #tpu.memory_space<vmem>>)
      tpu.yield
    }) : () -> ()
    %mul3A_3 = arith.constant 632 : i32
    %mul3A_4 = arith.muli %arg1, %mul3A_3 : i32
    %mul3A_5 = arith.constant 632 : i32
    %mul3A_6 = arith.muli %arg1, %mul3A_5 : i32
    "tpu.region"() ({
      %run_scoped3A = tpu.sem_alloc : memref<!tpu.dma_semaphore, #tpu.memory_space<semaphore_mem>>
      %dma_start3A_171 = arith.constant 0 : i32
      %dma_start3A_172 = tpu.memref_slice %arg13[%mul3A_6, %dma_start3A_171] : memref<10112x128xf32, #tpu.memory_space<vmem_shared>> -> memref<632x128xf32, #tpu.memory_space<vmem_shared>>
      %dma_start3A_173 = arith.constant 0 : i32
      %dma_start3A_174 = tpu.memref_slice %arg4[%mul3A_4, %dma_start3A_173] : memref<10112x128xf32, #tpu.memory_space<hbm>> -> memref<632x128xf32, #tpu.memory_space<hbm>>
      tpu.enqueue_dma source(%dma_start3A_174 : memref<632x128xf32, #tpu.memory_space<hbm>>) target(%dma_start3A_172 : memref<632x128xf32, #tpu.memory_space<vmem_shared>>) target_semaphore(%run_scoped3A : memref<!tpu.dma_semaphore, #tpu.memory_space<semaphore_mem>>)
      %dma_wait3A_175 = arith.constant 0 : i32
      %dma_wait3A_176 = tpu.memref_slice %arg13[%mul3A_6, %dma_wait3A_175] : memref<10112x128xf32, #tpu.memory_space<vmem_shared>> -> memref<632x128xf32, #tpu.memory_space<vmem_shared>>
      %dma_wait3A_177 = arith.constant 0 : i32
      %dma_wait3A_178 = tpu.memref_slice %arg4[%mul3A_4, %dma_wait3A_177] : memref<10112x128xf32, #tpu.memory_space<hbm>> -> memref<632x128xf32, #tpu.memory_space<hbm>>
      tpu.wait_dma2 semaphore(%run_scoped3A : memref<!tpu.dma_semaphore, #tpu.memory_space<semaphore_mem>>) src(%dma_wait3A_178 : memref<632x128xf32, #tpu.memory_space<hbm>>) dst(%dma_wait3A_176 : memref<632x128xf32, #tpu.memory_space<vmem_shared>>)
      tpu.yield
    }) : () -> ()
    %barrier3A = arith.constant 0 : index
    tpu.barrier barrier_id(%barrier3A)
    %get3A = arith.constant 0 : i32
    %get3A_7 = arith.index_cast %get3A : i32 to index
    %get3A_8 = arith.constant 0 : index
    %get3A_9 = tpu.vector_load %arg6[%get3A_7, %get3A_8] {strides = array<i32>} : memref<80x128xi32, #tpu.memory_space<vmem>>, vector<1x16xi32>,
    %get3A_10 = vector.shape_cast %get3A_9 : vector<1x16xi32> to vector<16xi32>
    %and3A = arith.constant 65535 : i32
    %and3A_11 = vector.broadcast %and3A : i32 to vector<16xi32>
    %and3A_12 = arith.andi %get3A_10, %and3A_11 : vector<16xi32>
    %swap3A = arith.constant 0 : index
    %swap3A_13 = tpu.vector_load %arg7[%swap3A] {strides = array<i32>} : memref<128xi32, #tpu.memory_space<vmem>>, vector<16xi32>,
    %swap3A_14 = vector.shape_cast %swap3A_13 : vector<16xi32> to vector<16xi32>
    %swap3A_15 = vector.shape_cast %and3A_12 : vector<16xi32> to vector<16xi32>
    tpu.vector_store %arg7[%swap3A], %swap3A_15 {strides = array<i32>} : memref<128xi32, #tpu.memory_space<vmem>>, vector<16xi32>,
    %shift_right_logical3A = arith.constant 16 : i32
    %shift_right_logical3A_16 = vector.broadcast %shift_right_logical3A : i32 to vector<16xi32>
    %shift_right_logical3A_17 = arith.shrui %get3A_10, %shift_right_logical3A_16 : vector<16xi32>
    %swap3A_18 = arith.constant 0 : index
    %swap3A_19 = tpu.vector_load %arg8[%swap3A_18] {strides = array<i32>} : memref<128xi32, #tpu.memory_space<vmem>>, vector<16xi32>,
    %swap3A_20 = vector.shape_cast %swap3A_19 : vector<16xi32> to vector<16xi32>
    %swap3A_21 = vector.shape_cast %shift_right_logical3A_17 : vector<16xi32> to vector<16xi32>
    tpu.vector_store %arg8[%swap3A_18], %swap3A_21 {strides = array<i32>} : memref<128xi32, #tpu.memory_space<vmem>>, vector<16xi32>,
    %get3A_22 = arith.constant 0 : i32
    %get3A_23 = arith.index_cast %get3A_22 : i32 to index
    %get3A_24 = arith.constant 16 : index
    %get3A_25 = tpu.vector_load %arg6[%get3A_23, %get3A_24] {strides = array<i32>} : memref<80x128xi32, #tpu.memory_space<vmem>>, vector<1x16xi32>,
    %get3A_26 = vector.shape_cast %get3A_25 : vector<1x16xi32> to vector<16xi32>
    %and3A_27 = arith.constant 65535 : i32
    %and3A_28 = vector.broadcast %and3A_27 : i32 to vector<16xi32>
    %and3A_29 = arith.andi %get3A_26, %and3A_28 : vector<16xi32>
    %swap3A_30 = arith.constant 16 : index
    %swap3A_31 = tpu.vector_load %arg7[%swap3A_30] {strides = array<i32>} : memref<128xi32, #tpu.memory_space<vmem>>, vector<16xi32>,
    %swap3A_32 = vector.shape_cast %swap3A_31 : vector<16xi32> to vector<16xi32>
    %swap3A_33 = vector.shape_cast %and3A_29 : vector<16xi32> to vector<16xi32>
    tpu.vector_store %arg7[%swap3A_30], %swap3A_33 {strides = array<i32>} : memref<128xi32, #tpu.memory_space<vmem>>, vector<16xi32>,
    %shift_right_logical3A_34 = arith.constant 16 : i32
    %shift_right_logical3A_35 = vector.broadcast %shift_right_logical3A_34 : i32 to vector<16xi32>
    %shift_right_logical3A_36 = arith.shrui %get3A_26, %shift_right_logical3A_35 : vector<16xi32>
    %swap3A_37 = arith.constant 16 : index
    %swap3A_38 = tpu.vector_load %arg8[%swap3A_37] {strides = array<i32>} : memref<128xi32, #tpu.memory_space<vmem>>, vector<16xi32>,
    %swap3A_39 = vector.shape_cast %swap3A_38 : vector<16xi32> to vector<16xi32>
    %swap3A_40 = vector.shape_cast %shift_right_logical3A_36 : vector<16xi32> to vector<16xi32>
    tpu.vector_store %arg8[%swap3A_37], %swap3A_40 {strides = array<i32>} : memref<128xi32, #tpu.memory_space<vmem>>, vector<16xi32>,
    %get3A_41 = arith.constant 0 : i32
    %get3A_42 = arith.index_cast %get3A_41 : i32 to index
    %get3A_43 = arith.constant 32 : index
    %get3A_44 = tpu.vector_load %arg6[%get3A_42, %get3A_43] {strides = array<i32>} : memref<80x128xi32, #tpu.memory_space<vmem>>, vector<1x16xi32>,
    %get3A_45 = vector.shape_cast %get3A_44 : vector<1x16xi32> to vector<16xi32>
    %and3A_46 = arith.constant 65535 : i32
    %and3A_47 = vector.broadcast %and3A_46 : i32 to vector<16xi32>
    %and3A_48 = arith.andi %get3A_45, %and3A_47 : vector<16xi32>
    %swap3A_49 = arith.constant 32 : index
    %swap3A_50 = tpu.vector_load %arg7[%swap3A_49] {strides = array<i32>} : memref<128xi32, #tpu.memory_space<vmem>>, vector<16xi32>,
    %swap3A_51 = vector.shape_cast %swap3A_50 : vector<16xi32> to vector<16xi32>
    %swap3A_52 = vector.shape_cast %and3A_48 : vector<16xi32> to vector<16xi32>
    tpu.vector_store %arg7[%swap3A_49], %swap3A_52 {strides = array<i32>} : memref<128xi32, #tpu.memory_space<vmem>>, vector<16xi32>,
    %shift_right_logical3A_53 = arith.constant 16 : i32
    %shift_right_logical3A_54 = vector.broadcast %shift_right_logical3A_53 : i32 to vector<16xi32>
    %shift_right_logical3A_55 = arith.shrui %get3A_45, %shift_right_logical3A_54 : vector<16xi32>
    %swap3A_56 = arith.constant 32 : index
    %swap3A_57 = tpu.vector_load %arg8[%swap3A_56] {strides = array<i32>} : memref<128xi32, #tpu.memory_space<vmem>>, vector<16xi32>,
    %swap3A_58 = vector.shape_cast %swap3A_57 : vector<16xi32> to vector<16xi32>
    %swap3A_59 = vector.shape_cast %shift_right_logical3A_55 : vector<16xi32> to vector<16xi32>
    tpu.vector_store %arg8[%swap3A_56], %swap3A_59 {strides = array<i32>} : memref<128xi32, #tpu.memory_space<vmem>>, vector<16xi32>,
    %get3A_60 = arith.constant 0 : i32
    %get3A_61 = arith.index_cast %get3A_60 : i32 to index
    %get3A_62 = arith.constant 48 : index
    %get3A_63 = tpu.vector_load %arg6[%get3A_61, %get3A_62] {strides = array<i32>} : memref<80x128xi32, #tpu.memory_space<vmem>>, vector<1x16xi32>,
    %get3A_64 = vector.shape_cast %get3A_63 : vector<1x16xi32> to vector<16xi32>
    %and3A_65 = arith.constant 65535 : i32
    %and3A_66 = vector.broadcast %and3A_65 : i32 to vector<16xi32>
    %and3A_67 = arith.andi %get3A_64, %and3A_66 : vector<16xi32>
    %swap3A_68 = arith.constant 48 : index
    %swap3A_69 = tpu.vector_load %arg7[%swap3A_68] {strides = array<i32>} : memref<128xi32, #tpu.memory_space<vmem>>, vector<16xi32>,
    %swap3A_70 = vector.shape_cast %swap3A_69 : vector<16xi32> to vector<16xi32>
    %swap3A_71 = vector.shape_cast %and3A_67 : vector<16xi32> to vector<16xi32>
    tpu.vector_store %arg7[%swap3A_68], %swap3A_71 {strides = array<i32>} : memref<128xi32, #tpu.memory_space<vmem>>, vector<16xi32>,
    %shift_right_logical3A_72 = arith.constant 16 : i32
    %shift_right_logical3A_73 = vector.broadcast %shift_right_logical3A_72 : i32 to vector<16xi32>
    %shift_right_logical3A_74 = arith.shrui %get3A_64, %shift_right_logical3A_73 : vector<16xi32>
    %swap3A_75 = arith.constant 48 : index
    %swap3A_76 = tpu.vector_load %arg8[%swap3A_75] {strides = array<i32>} : memref<128xi32, #tpu.memory_space<vmem>>, vector<16xi32>,
    %swap3A_77 = vector.shape_cast %swap3A_76 : vector<16xi32> to vector<16xi32>
    %swap3A_78 = vector.shape_cast %shift_right_logical3A_74 : vector<16xi32> to vector<16xi32>
    tpu.vector_store %arg8[%swap3A_75], %swap3A_78 {strides = array<i32>} : memref<128xi32, #tpu.memory_space<vmem>>, vector<16xi32>,
    %get3A_79 = arith.constant 0 : i32
    %get3A_80 = arith.index_cast %get3A_79 : i32 to index
    %get3A_81 = arith.constant 64 : index
    %get3A_82 = tpu.vector_load %arg6[%get3A_80, %get3A_81] {strides = array<i32>} : memref<80x128xi32, #tpu.memory_space<vmem>>, vector<1x16xi32>,
    %get3A_83 = vector.shape_cast %get3A_82 : vector<1x16xi32> to vector<16xi32>
    %and3A_84 = arith.constant 65535 : i32
    %and3A_85 = vector.broadcast %and3A_84 : i32 to vector<16xi32>
    %and3A_86 = arith.andi %get3A_83, %and3A_85 : vector<16xi32>
    %swap3A_87 = arith.constant 64 : index
    %swap3A_88 = tpu.vector_load %arg7[%swap3A_87] {strides = array<i32>} : memref<128xi32, #tpu.memory_space<vmem>>, vector<16xi32>,
    %swap3A_89 = vector.shape_cast %swap3A_88 : vector<16xi32> to vector<16xi32>
    %swap3A_90 = vector.shape_cast %and3A_86 : vector<16xi32> to vector<16xi32>
    tpu.vector_store %arg7[%swap3A_87], %swap3A_90 {strides = array<i32>} : memref<128xi32, #tpu.memory_space<vmem>>, vector<16xi32>,
    %shift_right_logical3A_91 = arith.constant 16 : i32
    %shift_right_logical3A_92 = vector.broadcast %shift_right_logical3A_91 : i32 to vector<16xi32>
    %shift_right_logical3A_93 = arith.shrui %get3A_83, %shift_right_logical3A_92 : vector<16xi32>
    %swap3A_94 = arith.constant 64 : index
    %swap3A_95 = tpu.vector_load %arg8[%swap3A_94] {strides = array<i32>} : memref<128xi32, #tpu.memory_space<vmem>>, vector<16xi32>,
    %swap3A_96 = vector.shape_cast %swap3A_95 : vector<16xi32> to vector<16xi32>
    %swap3A_97 = vector.shape_cast %shift_right_logical3A_93 : vector<16xi32> to vector<16xi32>
    tpu.vector_store %arg8[%swap3A_94], %swap3A_97 {strides = array<i32>} : memref<128xi32, #tpu.memory_space<vmem>>, vector<16xi32>,
    %get3A_98 = arith.constant 0 : i32
    %get3A_99 = arith.index_cast %get3A_98 : i32 to index
    %get3A_100 = arith.constant 80 : index
    %get3A_101 = tpu.vector_load %arg6[%get3A_99, %get3A_100] {strides = array<i32>} : memref<80x128xi32, #tpu.memory_space<vmem>>, vector<1x16xi32>,
    %get3A_102 = vector.shape_cast %get3A_101 : vector<1x16xi32> to vector<16xi32>
    %and3A_103 = arith.constant 65535 : i32
    %and3A_104 = vector.broadcast %and3A_103 : i32 to vector<16xi32>
    %and3A_105 = arith.andi %get3A_102, %and3A_104 : vector<16xi32>
    %swap3A_106 = arith.constant 80 : index
    %swap3A_107 = tpu.vector_load %arg7[%swap3A_106] {strides = array<i32>} : memref<128xi32, #tpu.memory_space<vmem>>, vector<16xi32>,
    %swap3A_108 = vector.shape_cast %swap3A_107 : vector<16xi32> to vector<16xi32>
    %swap3A_109 = vector.shape_cast %and3A_105 : vector<16xi32> to vector<16xi32>
    tpu.vector_store %arg7[%swap3A_106], %swap3A_109 {strides = array<i32>} : memref<128xi32, #tpu.memory_space<vmem>>, vector<16xi32>,
    %shift_right_logical3A_110 = arith.constant 16 : i32
    %shift_right_logical3A_111 = vector.broadcast %shift_right_logical3A_110 : i32 to vector<16xi32>
    %shift_right_logical3A_112 = arith.shrui %get3A_102, %shift_right_logical3A_111 : vector<16xi32>
    %swap3A_113 = arith.constant 80 : index
    %swap3A_114 = tpu.vector_load %arg8[%swap3A_113] {strides = array<i32>} : memref<128xi32, #tpu.memory_space<vmem>>, vector<16xi32>,
    %swap3A_115 = vector.shape_cast %swap3A_114 : vector<16xi32> to vector<16xi32>
    %swap3A_116 = vector.shape_cast %shift_right_logical3A_112 : vector<16xi32> to vector<16xi32>
    tpu.vector_store %arg8[%swap3A_113], %swap3A_116 {strides = array<i32>} : memref<128xi32, #tpu.memory_space<vmem>>, vector<16xi32>,
    %get3A_117 = arith.constant 0 : i32
    %get3A_118 = arith.index_cast %get3A_117 : i32 to index
    %get3A_119 = arith.constant 96 : index
    %get3A_120 = tpu.vector_load %arg6[%get3A_118, %get3A_119] {strides = array<i32>} : memref<80x128xi32, #tpu.memory_space<vmem>>, vector<1x16xi32>,
    %get3A_121 = vector.shape_cast %get3A_120 : vector<1x16xi32> to vector<16xi32>
    %and3A_122 = arith.constant 65535 : i32
    %and3A_123 = vector.broadcast %and3A_122 : i32 to vector<16xi32>
    %and3A_124 = arith.andi %get3A_121, %and3A_123 : vector<16xi32>
    %swap3A_125 = arith.constant 96 : index
    %swap3A_126 = tpu.vector_load %arg7[%swap3A_125] {strides = array<i32>} : memref<128xi32, #tpu.memory_space<vmem>>, vector<16xi32>,
    %swap3A_127 = vector.shape_cast %swap3A_126 : vector<16xi32> to vector<16xi32>
    %swap3A_128 = vector.shape_cast %and3A_124 : vector<16xi32> to vector<16xi32>
    tpu.vector_store %arg7[%swap3A_125], %swap3A_128 {strides = array<i32>} : memref<128xi32, #tpu.memory_space<vmem>>, vector<16xi32>,
    %shift_right_logical3A_129 = arith.constant 16 : i32
    %shift_right_logical3A_130 = vector.broadcast %shift_right_logical3A_129 : i32 to vector<16xi32>
    %shift_right_logical3A_131 = arith.shrui %get3A_121, %shift_right_logical3A_130 : vector<16xi32>
    %swap3A_132 = arith.constant 96 : index
    %swap3A_133 = tpu.vector_load %arg8[%swap3A_132] {strides = array<i32>} : memref<128xi32, #tpu.memory_space<vmem>>, vector<16xi32>,
    %swap3A_134 = vector.shape_cast %swap3A_133 : vector<16xi32> to vector<16xi32>
    %swap3A_135 = vector.shape_cast %shift_right_logical3A_131 : vector<16xi32> to vector<16xi32>
    tpu.vector_store %arg8[%swap3A_132], %swap3A_135 {strides = array<i32>} : memref<128xi32, #tpu.memory_space<vmem>>, vector<16xi32>,
    %get3A_136 = arith.constant 0 : i32
    %get3A_137 = arith.index_cast %get3A_136 : i32 to index
    %get3A_138 = arith.constant 112 : index
    %get3A_139 = tpu.vector_load %arg6[%get3A_137, %get3A_138] {strides = array<i32>} : memref<80x128xi32, #tpu.memory_space<vmem>>, vector<1x16xi32>,
    %get3A_140 = vector.shape_cast %get3A_139 : vector<1x16xi32> to vector<16xi32>
    %and3A_141 = arith.constant 65535 : i32
    %and3A_142 = vector.broadcast %and3A_141 : i32 to vector<16xi32>
    %and3A_143 = arith.andi %get3A_140, %and3A_142 : vector<16xi32>
    %swap3A_144 = arith.constant 112 : index
    %swap3A_145 = tpu.vector_load %arg7[%swap3A_144] {strides = array<i32>} : memref<128xi32, #tpu.memory_space<vmem>>, vector<16xi32>,
    %swap3A_146 = vector.shape_cast %swap3A_145 : vector<16xi32> to vector<16xi32>
    %swap3A_147 = vector.shape_cast %and3A_143 : vector<16xi32> to vector<16xi32>
    tpu.vector_store %arg7[%swap3A_144], %swap3A_147 {strides = array<i32>} : memref<128xi32, #tpu.memory_space<vmem>>, vector<16xi32>,
    %shift_right_logical3A_148 = arith.constant 16 : i32
    %shift_right_logical3A_149 = vector.broadcast %shift_right_logical3A_148 : i32 to vector<16xi32>
    %shift_right_logical3A_150 = arith.shrui %get3A_140, %shift_right_logical3A_149 : vector<16xi32>
    %swap3A_151 = arith.constant 112 : index
    %swap3A_152 = tpu.vector_load %arg8[%swap3A_151] {strides = array<i32>} : memref<128xi32, #tpu.memory_space<vmem>>, vector<16xi32>,
    %swap3A_153 = vector.shape_cast %swap3A_152 : vector<16xi32> to vector<16xi32>
    %swap3A_154 = vector.shape_cast %shift_right_logical3A_150 : vector<16xi32> to vector<16xi32>
    tpu.vector_store %arg8[%swap3A_151], %swap3A_154 {strides = array<i32>} : memref<128xi32, #tpu.memory_space<vmem>>, vector<16xi32>,
    %dma_start3A = arith.constant 0 : i32
    %dma_start3A_155 = arith.constant 0 : i32
    %dma_start3A_156 = tpu.memref_slice %arg2[%dma_start3A, %dma_start3A_155] : memref<10112x128xf32, #tpu.memory_space<hbm>> -> memref<10112x128xf32, #tpu.memory_space<hbm>>
    tpu.enqueue_indirect_dma source(%dma_start3A_156 : memref<10112x128xf32, #tpu.memory_space<hbm>>) target(%arg11 : memref<128x128xf32, #tpu.memory_space<vmem>>) offsets(%arg7 : memref<128xi32, #tpu.memory_space<vmem>>) semaphore(%arg14 : memref<!tpu.dma_semaphore, #tpu.memory_space<semaphore_mem>>)
    %scan3A = arith.constant 0 : i32
    %scan3A_157 = arith.constant 40 : i32
    %scan3A_158 = arith.addi %scan3A, %scan3A_157 : i32
    %scan3A_159 = arith.constant 1 : i32
    scf.for %scan3A_171 = %scan3A to %scan3A_158 step %scan3A_159  : i32 {
      %mul3A_172 = arith.constant 1 : i32
      %mul3A_173 = arith.muli %scan3A_171, %mul3A_172 : i32
      %add3A_174 = arith.constant 0 : i32
      %add3A_175 = arith.addi %add3A_174, %mul3A_173 : i32
      %mul3A_176 = arith.constant 2 : i32
      %mul3A_177 = arith.muli %mul3A_176, %add3A_175 : i32
      %dma_wait3A_178 = arith.constant 0 : i32
      %dma_wait3A_179 = arith.constant 0 : i32
      %dma_wait3A_180 = tpu.memref_slice %arg2[%dma_wait3A_178, %dma_wait3A_179] : memref<10112x128xf32, #tpu.memory_space<hbm>> -> memref<10112x128xf32, #tpu.memory_space<hbm>>
      tpu.wait_indirect_dma semaphore(%arg14 : memref<!tpu.dma_semaphore, #tpu.memory_space<semaphore_mem>>) src(%dma_wait3A_180 : memref<10112x128xf32, #tpu.memory_space<hbm>>) dst(%arg11 : memref<128x128xf32, #tpu.memory_space<vmem>>)
      %gt3A = arith.constant 0 : i32
      %gt3A_181 = arith.cmpi sgt, %add3A_175, %gt3A : i32
      %convert_element_type3A = arith.extui %gt3A_181 : i1 to i32
      %cond3A = arith.constant 0 : i32
      %cond3A_182 = arith.cmpi ne, %convert_element_type3A, %cond3A : i32
      scf.if %cond3A_182 {
        %dma_wait3A_345 = arith.constant 0 : i32
        %dma_wait3A_346 = arith.constant 0 : i32
        %dma_wait3A_347 = tpu.memref_slice %arg13[%dma_wait3A_345, %dma_wait3A_346] : memref<10112x128xf32, #tpu.memory_space<vmem_shared>> -> memref<10112x128xf32, #tpu.memory_space<vmem_shared>>
        tpu.wait_indirect_dma semaphore(%arg17 : memref<!tpu.dma_semaphore, #tpu.memory_space<semaphore_mem>>) src(%arg12 : memref<128x128xf32, #tpu.memory_space<vmem>>) dst(%dma_wait3A_347 : memref<10112x128xf32, #tpu.memory_space<vmem_shared>>)
      } else {
      }
      %add3A_183 = arith.constant 1 : i32
      %add3A_184 = arith.addi %mul3A_177, %add3A_183 : i32
      %get3A_185 = arith.index_cast %add3A_184 : i32 to index
      %get3A_186 = arith.constant 0 : index
      %get3A_187 = tpu.vector_load %arg6[%get3A_185, %get3A_186] {strides = array<i32>} : memref<80x128xi32, #tpu.memory_space<vmem>>, vector<1x16xi32>,
      %get3A_188 = vector.shape_cast %get3A_187 : vector<1x16xi32> to vector<16xi32>
      %and3A_189 = arith.constant 65535 : i32
      %and3A_190 = vector.broadcast %and3A_189 : i32 to vector<16xi32>
      %and3A_191 = arith.andi %get3A_188, %and3A_190 : vector<16xi32>
      %swap3A_192 = arith.constant 0 : index
      %swap3A_193 = tpu.vector_load %arg9[%swap3A_192] {strides = array<i32>} : memref<128xi32, #tpu.memory_space<vmem>>, vector<16xi32>,
      %swap3A_194 = vector.shape_cast %swap3A_193 : vector<16xi32> to vector<16xi32>
      %swap3A_195 = vector.shape_cast %and3A_191 : vector<16xi32> to vector<16xi32>
      tpu.vector_store %arg9[%swap3A_192], %swap3A_195 {strides = array<i32>} : memref<128xi32, #tpu.memory_space<vmem>>, vector<16xi32>,
      %shift_right_logical3A_196 = arith.constant 16 : i32
      %shift_right_logical3A_197 = vector.broadcast %shift_right_logical3A_196 : i32 to vector<16xi32>
      %shift_right_logical3A_198 = arith.shrui %get3A_188, %shift_right_logical3A_197 : vector<16xi32>
      %swap3A_199 = arith.constant 0 : index
      %swap3A_200 = tpu.vector_load %arg10[%swap3A_199] {strides = array<i32>} : memref<128xi32, #tpu.memory_space<vmem>>, vector<16xi32>,
      %swap3A_201 = vector.shape_cast %swap3A_200 : vector<16xi32> to vector<16xi32>
      %swap3A_202 = vector.shape_cast %shift_right_logical3A_198 : vector<16xi32> to vector<16xi32>
      tpu.vector_store %arg10[%swap3A_199], %swap3A_202 {strides = array<i32>} : memref<128xi32, #tpu.memory_space<vmem>>, vector<16xi32>,
      %get3A_203 = arith.index_cast %add3A_184 : i32 to index
      %get3A_204 = arith.constant 16 : index
      %get3A_205 = tpu.vector_load %arg6[%get3A_203, %get3A_204] {strides = array<i32>} : memref<80x128xi32, #tpu.memory_space<vmem>>, vector<1x16xi32>,
      %get3A_206 = vector.shape_cast %get3A_205 : vector<1x16xi32> to vector<16xi32>
      %and3A_207 = arith.constant 65535 : i32
      %and3A_208 = vector.broadcast %and3A_207 : i32 to vector<16xi32>
      %and3A_209 = arith.andi %get3A_206, %and3A_208 : vector<16xi32>
      %swap3A_210 = arith.constant 16 : index
      %swap3A_211 = tpu.vector_load %arg9[%swap3A_210] {strides = array<i32>} : memref<128xi32, #tpu.memory_space<vmem>>, vector<16xi32>,
      %swap3A_212 = vector.shape_cast %swap3A_211 : vector<16xi32> to vector<16xi32>
      %swap3A_213 = vector.shape_cast %and3A_209 : vector<16xi32> to vector<16xi32>
      tpu.vector_store %arg9[%swap3A_210], %swap3A_213 {strides = array<i32>} : memref<128xi32, #tpu.memory_space<vmem>>, vector<16xi32>,
      %shift_right_logical3A_214 = arith.constant 16 : i32
      %shift_right_logical3A_215 = vector.broadcast %shift_right_logical3A_214 : i32 to vector<16xi32>
      %shift_right_logical3A_216 = arith.shrui %get3A_206, %shift_right_logical3A_215 : vector<16xi32>
      %swap3A_217 = arith.constant 16 : index
      %swap3A_218 = tpu.vector_load %arg10[%swap3A_217] {strides = array<i32>} : memref<128xi32, #tpu.memory_space<vmem>>, vector<16xi32>,
      %swap3A_219 = vector.shape_cast %swap3A_218 : vector<16xi32> to vector<16xi32>
      %swap3A_220 = vector.shape_cast %shift_right_logical3A_216 : vector<16xi32> to vector<16xi32>
      tpu.vector_store %arg10[%swap3A_217], %swap3A_220 {strides = array<i32>} : memref<128xi32, #tpu.memory_space<vmem>>, vector<16xi32>,
      %get3A_221 = arith.index_cast %add3A_184 : i32 to index
      %get3A_222 = arith.constant 32 : index
      %get3A_223 = tpu.vector_load %arg6[%get3A_221, %get3A_222] {strides = array<i32>} : memref<80x128xi32, #tpu.memory_space<vmem>>, vector<1x16xi32>,
      %get3A_224 = vector.shape_cast %get3A_223 : vector<1x16xi32> to vector<16xi32>
      %and3A_225 = arith.constant 65535 : i32
      %and3A_226 = vector.broadcast %and3A_225 : i32 to vector<16xi32>
      %and3A_227 = arith.andi %get3A_224, %and3A_226 : vector<16xi32>
      %swap3A_228 = arith.constant 32 : index
      %swap3A_229 = tpu.vector_load %arg9[%swap3A_228] {strides = array<i32>} : memref<128xi32, #tpu.memory_space<vmem>>, vector<16xi32>,
      %swap3A_230 = vector.shape_cast %swap3A_229 : vector<16xi32> to vector<16xi32>
      %swap3A_231 = vector.shape_cast %and3A_227 : vector<16xi32> to vector<16xi32>
      tpu.vector_store %arg9[%swap3A_228], %swap3A_231 {strides = array<i32>} : memref<128xi32, #tpu.memory_space<vmem>>, vector<16xi32>,
      %shift_right_logical3A_232 = arith.constant 16 : i32
      %shift_right_logical3A_233 = vector.broadcast %shift_right_logical3A_232 : i32 to vector<16xi32>
      %shift_right_logical3A_234 = arith.shrui %get3A_224, %shift_right_logical3A_233 : vector<16xi32>
      %swap3A_235 = arith.constant 32 : index
      %swap3A_236 = tpu.vector_load %arg10[%swap3A_235] {strides = array<i32>} : memref<128xi32, #tpu.memory_space<vmem>>, vector<16xi32>,
      %swap3A_237 = vector.shape_cast %swap3A_236 : vector<16xi32> to vector<16xi32>
      %swap3A_238 = vector.shape_cast %shift_right_logical3A_234 : vector<16xi32> to vector<16xi32>
      tpu.vector_store %arg10[%swap3A_235], %swap3A_238 {strides = array<i32>} : memref<128xi32, #tpu.memory_space<vmem>>, vector<16xi32>,
      %get3A_239 = arith.index_cast %add3A_184 : i32 to index
      %get3A_240 = arith.constant 48 : index
      %get3A_241 = tpu.vector_load %arg6[%get3A_239, %get3A_240] {strides = array<i32>} : memref<80x128xi32, #tpu.memory_space<vmem>>, vector<1x16xi32>,
      %get3A_242 = vector.shape_cast %get3A_241 : vector<1x16xi32> to vector<16xi32>
      %and3A_243 = arith.constant 65535 : i32
      %and3A_244 = vector.broadcast %and3A_243 : i32 to vector<16xi32>
      %and3A_245 = arith.andi %get3A_242, %and3A_244 : vector<16xi32>
      %swap3A_246 = arith.constant 48 : index
      %swap3A_247 = tpu.vector_load %arg9[%swap3A_246] {strides = array<i32>} : memref<128xi32, #tpu.memory_space<vmem>>, vector<16xi32>,
      %swap3A_248 = vector.shape_cast %swap3A_247 : vector<16xi32> to vector<16xi32>
      %swap3A_249 = vector.shape_cast %and3A_245 : vector<16xi32> to vector<16xi32>
      tpu.vector_store %arg9[%swap3A_246], %swap3A_249 {strides = array<i32>} : memref<128xi32, #tpu.memory_space<vmem>>, vector<16xi32>,
      %shift_right_logical3A_250 = arith.constant 16 : i32
      %shift_right_logical3A_251 = vector.broadcast %shift_right_logical3A_250 : i32 to vector<16xi32>
      %shift_right_logical3A_252 = arith.shrui %get3A_242, %shift_right_logical3A_251 : vector<16xi32>
      %swap3A_253 = arith.constant 48 : index
      %swap3A_254 = tpu.vector_load %arg10[%swap3A_253] {strides = array<i32>} : memref<128xi32, #tpu.memory_space<vmem>>, vector<16xi32>,
      %swap3A_255 = vector.shape_cast %swap3A_254 : vector<16xi32> to vector<16xi32>
      %swap3A_256 = vector.shape_cast %shift_right_logical3A_252 : vector<16xi32> to vector<16xi32>
      tpu.vector_store %arg10[%swap3A_253], %swap3A_256 {strides = array<i32>} : memref<128xi32, #tpu.memory_space<vmem>>, vector<16xi32>,
      %get3A_257 = arith.index_cast %add3A_184 : i32 to index
      %get3A_258 = arith.constant 64 : index
      %get3A_259 = tpu.vector_load %arg6[%get3A_257, %get3A_258] {strides = array<i32>} : memref<80x128xi32, #tpu.memory_space<vmem>>, vector<1x16xi32>,
      %get3A_260 = vector.shape_cast %get3A_259 : vector<1x16xi32> to vector<16xi32>
      %and3A_261 = arith.constant 65535 : i32
      %and3A_262 = vector.broadcast %and3A_261 : i32 to vector<16xi32>
      %and3A_263 = arith.andi %get3A_260, %and3A_262 : vector<16xi32>
      %swap3A_264 = arith.constant 64 : index
      %swap3A_265 = tpu.vector_load %arg9[%swap3A_264] {strides = array<i32>} : memref<128xi32, #tpu.memory_space<vmem>>, vector<16xi32>,
      %swap3A_266 = vector.shape_cast %swap3A_265 : vector<16xi32> to vector<16xi32>
      %swap3A_267 = vector.shape_cast %and3A_263 : vector<16xi32> to vector<16xi32>
      tpu.vector_store %arg9[%swap3A_264], %swap3A_267 {strides = array<i32>} : memref<128xi32, #tpu.memory_space<vmem>>, vector<16xi32>,
      %shift_right_logical3A_268 = arith.constant 16 : i32
      %shift_right_logical3A_269 = vector.broadcast %shift_right_logical3A_268 : i32 to vector<16xi32>
      %shift_right_logical3A_270 = arith.shrui %get3A_260, %shift_right_logical3A_269 : vector<16xi32>
      %swap3A_271 = arith.constant 64 : index
      %swap3A_272 = tpu.vector_load %arg10[%swap3A_271] {strides = array<i32>} : memref<128xi32, #tpu.memory_space<vmem>>, vector<16xi32>,
      %swap3A_273 = vector.shape_cast %swap3A_272 : vector<16xi32> to vector<16xi32>
      %swap3A_274 = vector.shape_cast %shift_right_logical3A_270 : vector<16xi32> to vector<16xi32>
      tpu.vector_store %arg10[%swap3A_271], %swap3A_274 {strides = array<i32>} : memref<128xi32, #tpu.memory_space<vmem>>, vector<16xi32>,
      %get3A_275 = arith.index_cast %add3A_184 : i32 to index
      %get3A_276 = arith.constant 80 : index
      %get3A_277 = tpu.vector_load %arg6[%get3A_275, %get3A_276] {strides = array<i32>} : memref<80x128xi32, #tpu.memory_space<vmem>>, vector<1x16xi32>,
      %get3A_278 = vector.shape_cast %get3A_277 : vector<1x16xi32> to vector<16xi32>
      %and3A_279 = arith.constant 65535 : i32
      %and3A_280 = vector.broadcast %and3A_279 : i32 to vector<16xi32>
      %and3A_281 = arith.andi %get3A_278, %and3A_280 : vector<16xi32>
      %swap3A_282 = arith.constant 80 : index
      %swap3A_283 = tpu.vector_load %arg9[%swap3A_282] {strides = array<i32>} : memref<128xi32, #tpu.memory_space<vmem>>, vector<16xi32>,
      %swap3A_284 = vector.shape_cast %swap3A_283 : vector<16xi32> to vector<16xi32>
      %swap3A_285 = vector.shape_cast %and3A_281 : vector<16xi32> to vector<16xi32>
      tpu.vector_store %arg9[%swap3A_282], %swap3A_285 {strides = array<i32>} : memref<128xi32, #tpu.memory_space<vmem>>, vector<16xi32>,
      %shift_right_logical3A_286 = arith.constant 16 : i32
      %shift_right_logical3A_287 = vector.broadcast %shift_right_logical3A_286 : i32 to vector<16xi32>
      %shift_right_logical3A_288 = arith.shrui %get3A_278, %shift_right_logical3A_287 : vector<16xi32>
      %swap3A_289 = arith.constant 80 : index
      %swap3A_290 = tpu.vector_load %arg10[%swap3A_289] {strides = array<i32>} : memref<128xi32, #tpu.memory_space<vmem>>, vector<16xi32>,
      %swap3A_291 = vector.shape_cast %swap3A_290 : vector<16xi32> to vector<16xi32>
      %swap3A_292 = vector.shape_cast %shift_right_logical3A_288 : vector<16xi32> to vector<16xi32>
      tpu.vector_store %arg10[%swap3A_289], %swap3A_292 {strides = array<i32>} : memref<128xi32, #tpu.memory_space<vmem>>, vector<16xi32>,
      %get3A_293 = arith.index_cast %add3A_184 : i32 to index
      %get3A_294 = arith.constant 96 : index
      %get3A_295 = tpu.vector_load %arg6[%get3A_293, %get3A_294] {strides = array<i32>} : memref<80x128xi32, #tpu.memory_space<vmem>>, vector<1x16xi32>,
      %get3A_296 = vector.shape_cast %get3A_295 : vector<1x16xi32> to vector<16xi32>
      %and3A_297 = arith.constant 65535 : i32
      %and3A_298 = vector.broadcast %and3A_297 : i32 to vector<16xi32>
      %and3A_299 = arith.andi %get3A_296, %and3A_298 : vector<16xi32>
      %swap3A_300 = arith.constant 96 : index
      %swap3A_301 = tpu.vector_load %arg9[%swap3A_300] {strides = array<i32>} : memref<128xi32, #tpu.memory_space<vmem>>, vector<16xi32>,
      %swap3A_302 = vector.shape_cast %swap3A_301 : vector<16xi32> to vector<16xi32>
      %swap3A_303 = vector.shape_cast %and3A_299 : vector<16xi32> to vector<16xi32>
      tpu.vector_store %arg9[%swap3A_300], %swap3A_303 {strides = array<i32>} : memref<128xi32, #tpu.memory_space<vmem>>, vector<16xi32>,
      %shift_right_logical3A_304 = arith.constant 16 : i32
      %shift_right_logical3A_305 = vector.broadcast %shift_right_logical3A_304 : i32 to vector<16xi32>
      %shift_right_logical3A_306 = arith.shrui %get3A_296, %shift_right_logical3A_305 : vector<16xi32>
      %swap3A_307 = arith.constant 96 : index
      %swap3A_308 = tpu.vector_load %arg10[%swap3A_307] {strides = array<i32>} : memref<128xi32, #tpu.memory_space<vmem>>, vector<16xi32>,
      %swap3A_309 = vector.shape_cast %swap3A_308 : vector<16xi32> to vector<16xi32>
      %swap3A_310 = vector.shape_cast %shift_right_logical3A_306 : vector<16xi32> to vector<16xi32>
      tpu.vector_store %arg10[%swap3A_307], %swap3A_310 {strides = array<i32>} : memref<128xi32, #tpu.memory_space<vmem>>, vector<16xi32>,
      %get3A_311 = arith.index_cast %add3A_184 : i32 to index
      %get3A_312 = arith.constant 112 : index
      %get3A_313 = tpu.vector_load %arg6[%get3A_311, %get3A_312] {strides = array<i32>} : memref<80x128xi32, #tpu.memory_space<vmem>>, vector<1x16xi32>,
      %get3A_314 = vector.shape_cast %get3A_313 : vector<1x16xi32> to vector<16xi32>
      %and3A_315 = arith.constant 65535 : i32
      %and3A_316 = vector.broadcast %and3A_315 : i32 to vector<16xi32>
      %and3A_317 = arith.andi %get3A_314, %and3A_316 : vector<16xi32>
      %swap3A_318 = arith.constant 112 : index
      %swap3A_319 = tpu.vector_load %arg9[%swap3A_318] {strides = array<i32>} : memref<128xi32, #tpu.memory_space<vmem>>, vector<16xi32>,
      %swap3A_320 = vector.shape_cast %swap3A_319 : vector<16xi32> to vector<16xi32>
      %swap3A_321 = vector.shape_cast %and3A_317 : vector<16xi32> to vector<16xi32>
      tpu.vector_store %arg9[%swap3A_318], %swap3A_321 {strides = array<i32>} : memref<128xi32, #tpu.memory_space<vmem>>, vector<16xi32>,
      %shift_right_logical3A_322 = arith.constant 16 : i32
      %shift_right_logical3A_323 = vector.broadcast %shift_right_logical3A_322 : i32 to vector<16xi32>
      %shift_right_logical3A_324 = arith.shrui %get3A_314, %shift_right_logical3A_323 : vector<16xi32>
      %swap3A_325 = arith.constant 112 : index
      %swap3A_326 = tpu.vector_load %arg10[%swap3A_325] {strides = array<i32>} : memref<128xi32, #tpu.memory_space<vmem>>, vector<16xi32>,
      %swap3A_327 = vector.shape_cast %swap3A_326 : vector<16xi32> to vector<16xi32>
      %swap3A_328 = vector.shape_cast %shift_right_logical3A_324 : vector<16xi32> to vector<16xi32>
      tpu.vector_store %arg10[%swap3A_325], %swap3A_328 {strides = array<i32>} : memref<128xi32, #tpu.memory_space<vmem>>, vector<16xi32>,
      %dma_start3A_329 = arith.constant 0 : i32
      %dma_start3A_330 = arith.constant 0 : i32
      %dma_start3A_331 = tpu.memref_slice %arg2[%dma_start3A_329, %dma_start3A_330] : memref<10112x128xf32, #tpu.memory_space<hbm>> -> memref<10112x128xf32, #tpu.memory_space<hbm>>
      tpu.enqueue_indirect_dma source(%dma_start3A_331 : memref<10112x128xf32, #tpu.memory_space<hbm>>) target(%arg12 : memref<128x128xf32, #tpu.memory_space<vmem>>) offsets(%arg9 : memref<128xi32, #tpu.memory_space<vmem>>) semaphore(%arg15 : memref<!tpu.dma_semaphore, #tpu.memory_space<semaphore_mem>>)
      %dma_start3A_332 = arith.constant 0 : i32
      %dma_start3A_333 = arith.constant 0 : i32
      %dma_start3A_334 = tpu.memref_slice %arg13[%dma_start3A_332, %dma_start3A_333] : memref<10112x128xf32, #tpu.memory_space<vmem_shared>> -> memref<10112x128xf32, #tpu.memory_space<vmem_shared>>
      tpu.enqueue_indirect_dma source(%arg11 : memref<128x128xf32, #tpu.memory_space<vmem>>) target(%dma_start3A_334 : memref<10112x128xf32, #tpu.memory_space<vmem_shared>>) offsets(%arg8 : memref<128xi32, #tpu.memory_space<vmem>>) semaphore(%arg16 : memref<!tpu.dma_semaphore, #tpu.memory_space<semaphore_mem>>) {add = true}
      %dma_wait3A_335 = arith.constant 0 : i32
      %dma_wait3A_336 = arith.constant 0 : i32
      %dma_wait3A_337 = tpu.memref_slice %arg2[%dma_wait3A_335, %dma_wait3A_336] : memref<10112x128xf32, #tpu.memory_space<hbm>> -> memref<10112x128xf32, #tpu.memory_space<hbm>>
      tpu.wait_indirect_dma semaphore(%arg15 : memref<!tpu.dma_semaphore, #tpu.memory_space<semaphore_mem>>) src(%dma_wait3A_337 : memref<10112x128xf32, #tpu.memory_space<hbm>>) dst(%arg12 : memref<128x128xf32, #tpu.memory_space<vmem>>)
      %lt3A = arith.constant 39 : i32
      %lt3A_338 = arith.cmpi slt, %add3A_175, %lt3A : i32
      %convert_element_type3A_339 = arith.extui %lt3A_338 : i1 to i32
      %cond3A_340 = arith.constant 0 : i32
      %cond3A_341 = arith.cmpi ne, %convert_element_type3A_339, %cond3A_340 : i32
      scf.if %cond3A_341 {
        %dma_wait3A_345 = arith.constant 0 : i32
        %dma_wait3A_346 = arith.constant 0 : i32
        %dma_wait3A_347 = tpu.memref_slice %arg13[%dma_wait3A_345, %dma_wait3A_346] : memref<10112x128xf32, #tpu.memory_space<vmem_shared>> -> memref<10112x128xf32, #tpu.memory_space<vmem_shared>>
        tpu.wait_indirect_dma semaphore(%arg16 : memref<!tpu.dma_semaphore, #tpu.memory_space<semaphore_mem>>) src(%arg11 : memref<128x128xf32, #tpu.memory_space<vmem>>) dst(%dma_wait3A_347 : memref<10112x128xf32, #tpu.memory_space<vmem_shared>>)
        %add3A_348 = arith.constant 2 : i32
        %add3A_349 = arith.addi %mul3A_177, %add3A_348 : i32
        %get3A_350 = arith.index_cast %add3A_349 : i32 to index
        %get3A_351 = arith.constant 0 : index
        %get3A_352 = tpu.vector_load %arg6[%get3A_350, %get3A_351] {strides = array<i32>} : memref<80x128xi32, #tpu.memory_space<vmem>>, vector<1x16xi32>,
        %get3A_353 = vector.shape_cast %get3A_352 : vector<1x16xi32> to vector<16xi32>
        %and3A_354 = arith.constant 65535 : i32
        %and3A_355 = vector.broadcast %and3A_354 : i32 to vector<16xi32>
        %and3A_356 = arith.andi %get3A_353, %and3A_355 : vector<16xi32>
        %swap3A_357 = arith.constant 0 : index
        %swap3A_358 = tpu.vector_load %arg7[%swap3A_357] {strides = array<i32>} : memref<128xi32, #tpu.memory_space<vmem>>, vector<16xi32>,
        %swap3A_359 = vector.shape_cast %swap3A_358 : vector<16xi32> to vector<16xi32>
        %swap3A_360 = vector.shape_cast %and3A_356 : vector<16xi32> to vector<16xi32>
        tpu.vector_store %arg7[%swap3A_357], %swap3A_360 {strides = array<i32>} : memref<128xi32, #tpu.memory_space<vmem>>, vector<16xi32>,
        %shift_right_logical3A_361 = arith.constant 16 : i32
        %shift_right_logical3A_362 = vector.broadcast %shift_right_logical3A_361 : i32 to vector<16xi32>
        %shift_right_logical3A_363 = arith.shrui %get3A_353, %shift_right_logical3A_362 : vector<16xi32>
        %swap3A_364 = arith.constant 0 : index
        %swap3A_365 = tpu.vector_load %arg8[%swap3A_364] {strides = array<i32>} : memref<128xi32, #tpu.memory_space<vmem>>, vector<16xi32>,
        %swap3A_366 = vector.shape_cast %swap3A_365 : vector<16xi32> to vector<16xi32>
        %swap3A_367 = vector.shape_cast %shift_right_logical3A_363 : vector<16xi32> to vector<16xi32>
        tpu.vector_store %arg8[%swap3A_364], %swap3A_367 {strides = array<i32>} : memref<128xi32, #tpu.memory_space<vmem>>, vector<16xi32>,
        %get3A_368 = arith.index_cast %add3A_349 : i32 to index
        %get3A_369 = arith.constant 16 : index
        %get3A_370 = tpu.vector_load %arg6[%get3A_368, %get3A_369] {strides = array<i32>} : memref<80x128xi32, #tpu.memory_space<vmem>>, vector<1x16xi32>,
        %get3A_371 = vector.shape_cast %get3A_370 : vector<1x16xi32> to vector<16xi32>
        %and3A_372 = arith.constant 65535 : i32
        %and3A_373 = vector.broadcast %and3A_372 : i32 to vector<16xi32>
        %and3A_374 = arith.andi %get3A_371, %and3A_373 : vector<16xi32>
        %swap3A_375 = arith.constant 16 : index
        %swap3A_376 = tpu.vector_load %arg7[%swap3A_375] {strides = array<i32>} : memref<128xi32, #tpu.memory_space<vmem>>, vector<16xi32>,
        %swap3A_377 = vector.shape_cast %swap3A_376 : vector<16xi32> to vector<16xi32>
        %swap3A_378 = vector.shape_cast %and3A_374 : vector<16xi32> to vector<16xi32>
        tpu.vector_store %arg7[%swap3A_375], %swap3A_378 {strides = array<i32>} : memref<128xi32, #tpu.memory_space<vmem>>, vector<16xi32>,
        %shift_right_logical3A_379 = arith.constant 16 : i32
        %shift_right_logical3A_380 = vector.broadcast %shift_right_logical3A_379 : i32 to vector<16xi32>
        %shift_right_logical3A_381 = arith.shrui %get3A_371, %shift_right_logical3A_380 : vector<16xi32>
        %swap3A_382 = arith.constant 16 : index
        %swap3A_383 = tpu.vector_load %arg8[%swap3A_382] {strides = array<i32>} : memref<128xi32, #tpu.memory_space<vmem>>, vector<16xi32>,
        %swap3A_384 = vector.shape_cast %swap3A_383 : vector<16xi32> to vector<16xi32>
        %swap3A_385 = vector.shape_cast %shift_right_logical3A_381 : vector<16xi32> to vector<16xi32>
        tpu.vector_store %arg8[%swap3A_382], %swap3A_385 {strides = array<i32>} : memref<128xi32, #tpu.memory_space<vmem>>, vector<16xi32>,
        %get3A_386 = arith.index_cast %add3A_349 : i32 to index
        %get3A_387 = arith.constant 32 : index
        %get3A_388 = tpu.vector_load %arg6[%get3A_386, %get3A_387] {strides = array<i32>} : memref<80x128xi32, #tpu.memory_space<vmem>>, vector<1x16xi32>,
        %get3A_389 = vector.shape_cast %get3A_388 : vector<1x16xi32> to vector<16xi32>
        %and3A_390 = arith.constant 65535 : i32
        %and3A_391 = vector.broadcast %and3A_390 : i32 to vector<16xi32>
        %and3A_392 = arith.andi %get3A_389, %and3A_391 : vector<16xi32>
        %swap3A_393 = arith.constant 32 : index
        %swap3A_394 = tpu.vector_load %arg7[%swap3A_393] {strides = array<i32>} : memref<128xi32, #tpu.memory_space<vmem>>, vector<16xi32>,
        %swap3A_395 = vector.shape_cast %swap3A_394 : vector<16xi32> to vector<16xi32>
        %swap3A_396 = vector.shape_cast %and3A_392 : vector<16xi32> to vector<16xi32>
        tpu.vector_store %arg7[%swap3A_393], %swap3A_396 {strides = array<i32>} : memref<128xi32, #tpu.memory_space<vmem>>, vector<16xi32>,
        %shift_right_logical3A_397 = arith.constant 16 : i32
        %shift_right_logical3A_398 = vector.broadcast %shift_right_logical3A_397 : i32 to vector<16xi32>
        %shift_right_logical3A_399 = arith.shrui %get3A_389, %shift_right_logical3A_398 : vector<16xi32>
        %swap3A_400 = arith.constant 32 : index
        %swap3A_401 = tpu.vector_load %arg8[%swap3A_400] {strides = array<i32>} : memref<128xi32, #tpu.memory_space<vmem>>, vector<16xi32>,
        %swap3A_402 = vector.shape_cast %swap3A_401 : vector<16xi32> to vector<16xi32>
        %swap3A_403 = vector.shape_cast %shift_right_logical3A_399 : vector<16xi32> to vector<16xi32>
        tpu.vector_store %arg8[%swap3A_400], %swap3A_403 {strides = array<i32>} : memref<128xi32, #tpu.memory_space<vmem>>, vector<16xi32>,
        %get3A_404 = arith.index_cast %add3A_349 : i32 to index
        %get3A_405 = arith.constant 48 : index
        %get3A_406 = tpu.vector_load %arg6[%get3A_404, %get3A_405] {strides = array<i32>} : memref<80x128xi32, #tpu.memory_space<vmem>>, vector<1x16xi32>,
        %get3A_407 = vector.shape_cast %get3A_406 : vector<1x16xi32> to vector<16xi32>
        %and3A_408 = arith.constant 65535 : i32
        %and3A_409 = vector.broadcast %and3A_408 : i32 to vector<16xi32>
        %and3A_410 = arith.andi %get3A_407, %and3A_409 : vector<16xi32>
        %swap3A_411 = arith.constant 48 : index
        %swap3A_412 = tpu.vector_load %arg7[%swap3A_411] {strides = array<i32>} : memref<128xi32, #tpu.memory_space<vmem>>, vector<16xi32>,
        %swap3A_413 = vector.shape_cast %swap3A_412 : vector<16xi32> to vector<16xi32>
        %swap3A_414 = vector.shape_cast %and3A_410 : vector<16xi32> to vector<16xi32>
        tpu.vector_store %arg7[%swap3A_411], %swap3A_414 {strides = array<i32>} : memref<128xi32, #tpu.memory_space<vmem>>, vector<16xi32>,
        %shift_right_logical3A_415 = arith.constant 16 : i32
        %shift_right_logical3A_416 = vector.broadcast %shift_right_logical3A_415 : i32 to vector<16xi32>
        %shift_right_logical3A_417 = arith.shrui %get3A_407, %shift_right_logical3A_416 : vector<16xi32>
        %swap3A_418 = arith.constant 48 : index
        %swap3A_419 = tpu.vector_load %arg8[%swap3A_418] {strides = array<i32>} : memref<128xi32, #tpu.memory_space<vmem>>, vector<16xi32>,
        %swap3A_420 = vector.shape_cast %swap3A_419 : vector<16xi32> to vector<16xi32>
        %swap3A_421 = vector.shape_cast %shift_right_logical3A_417 : vector<16xi32> to vector<16xi32>
        tpu.vector_store %arg8[%swap3A_418], %swap3A_421 {strides = array<i32>} : memref<128xi32, #tpu.memory_space<vmem>>, vector<16xi32>,
        %get3A_422 = arith.index_cast %add3A_349 : i32 to index
        %get3A_423 = arith.constant 64 : index
        %get3A_424 = tpu.vector_load %arg6[%get3A_422, %get3A_423] {strides = array<i32>} : memref<80x128xi32, #tpu.memory_space<vmem>>, vector<1x16xi32>,
        %get3A_425 = vector.shape_cast %get3A_424 : vector<1x16xi32> to vector<16xi32>
        %and3A_426 = arith.constant 65535 : i32
        %and3A_427 = vector.broadcast %and3A_426 : i32 to vector<16xi32>
        %and3A_428 = arith.andi %get3A_425, %and3A_427 : vector<16xi32>
        %swap3A_429 = arith.constant 64 : index
        %swap3A_430 = tpu.vector_load %arg7[%swap3A_429] {strides = array<i32>} : memref<128xi32, #tpu.memory_space<vmem>>, vector<16xi32>,
        %swap3A_431 = vector.shape_cast %swap3A_430 : vector<16xi32> to vector<16xi32>
        %swap3A_432 = vector.shape_cast %and3A_428 : vector<16xi32> to vector<16xi32>
        tpu.vector_store %arg7[%swap3A_429], %swap3A_432 {strides = array<i32>} : memref<128xi32, #tpu.memory_space<vmem>>, vector<16xi32>,
        %shift_right_logical3A_433 = arith.constant 16 : i32
        %shift_right_logical3A_434 = vector.broadcast %shift_right_logical3A_433 : i32 to vector<16xi32>
        %shift_right_logical3A_435 = arith.shrui %get3A_425, %shift_right_logical3A_434 : vector<16xi32>
        %swap3A_436 = arith.constant 64 : index
        %swap3A_437 = tpu.vector_load %arg8[%swap3A_436] {strides = array<i32>} : memref<128xi32, #tpu.memory_space<vmem>>, vector<16xi32>,
        %swap3A_438 = vector.shape_cast %swap3A_437 : vector<16xi32> to vector<16xi32>
        %swap3A_439 = vector.shape_cast %shift_right_logical3A_435 : vector<16xi32> to vector<16xi32>
        tpu.vector_store %arg8[%swap3A_436], %swap3A_439 {strides = array<i32>} : memref<128xi32, #tpu.memory_space<vmem>>, vector<16xi32>,
        %get3A_440 = arith.index_cast %add3A_349 : i32 to index
        %get3A_441 = arith.constant 80 : index
        %get3A_442 = tpu.vector_load %arg6[%get3A_440, %get3A_441] {strides = array<i32>} : memref<80x128xi32, #tpu.memory_space<vmem>>, vector<1x16xi32>,
        %get3A_443 = vector.shape_cast %get3A_442 : vector<1x16xi32> to vector<16xi32>
        %and3A_444 = arith.constant 65535 : i32
        %and3A_445 = vector.broadcast %and3A_444 : i32 to vector<16xi32>
        %and3A_446 = arith.andi %get3A_443, %and3A_445 : vector<16xi32>
        %swap3A_447 = arith.constant 80 : index
        %swap3A_448 = tpu.vector_load %arg7[%swap3A_447] {strides = array<i32>} : memref<128xi32, #tpu.memory_space<vmem>>, vector<16xi32>,
        %swap3A_449 = vector.shape_cast %swap3A_448 : vector<16xi32> to vector<16xi32>
        %swap3A_450 = vector.shape_cast %and3A_446 : vector<16xi32> to vector<16xi32>
        tpu.vector_store %arg7[%swap3A_447], %swap3A_450 {strides = array<i32>} : memref<128xi32, #tpu.memory_space<vmem>>, vector<16xi32>,
        %shift_right_logical3A_451 = arith.constant 16 : i32
        %shift_right_logical3A_452 = vector.broadcast %shift_right_logical3A_451 : i32 to vector<16xi32>
        %shift_right_logical3A_453 = arith.shrui %get3A_443, %shift_right_logical3A_452 : vector<16xi32>
        %swap3A_454 = arith.constant 80 : index
        %swap3A_455 = tpu.vector_load %arg8[%swap3A_454] {strides = array<i32>} : memref<128xi32, #tpu.memory_space<vmem>>, vector<16xi32>,
        %swap3A_456 = vector.shape_cast %swap3A_455 : vector<16xi32> to vector<16xi32>
        %swap3A_457 = vector.shape_cast %shift_right_logical3A_453 : vector<16xi32> to vector<16xi32>
        tpu.vector_store %arg8[%swap3A_454], %swap3A_457 {strides = array<i32>} : memref<128xi32, #tpu.memory_space<vmem>>, vector<16xi32>,
        %get3A_458 = arith.index_cast %add3A_349 : i32 to index
        %get3A_459 = arith.constant 96 : index
        %get3A_460 = tpu.vector_load %arg6[%get3A_458, %get3A_459] {strides = array<i32>} : memref<80x128xi32, #tpu.memory_space<vmem>>, vector<1x16xi32>,
        %get3A_461 = vector.shape_cast %get3A_460 : vector<1x16xi32> to vector<16xi32>
        %and3A_462 = arith.constant 65535 : i32
        %and3A_463 = vector.broadcast %and3A_462 : i32 to vector<16xi32>
        %and3A_464 = arith.andi %get3A_461, %and3A_463 : vector<16xi32>
        %swap3A_465 = arith.constant 96 : index
        %swap3A_466 = tpu.vector_load %arg7[%swap3A_465] {strides = array<i32>} : memref<128xi32, #tpu.memory_space<vmem>>, vector<16xi32>,
        %swap3A_467 = vector.shape_cast %swap3A_466 : vector<16xi32> to vector<16xi32>
        %swap3A_468 = vector.shape_cast %and3A_464 : vector<16xi32> to vector<16xi32>
        tpu.vector_store %arg7[%swap3A_465], %swap3A_468 {strides = array<i32>} : memref<128xi32, #tpu.memory_space<vmem>>, vector<16xi32>,
        %shift_right_logical3A_469 = arith.constant 16 : i32
        %shift_right_logical3A_470 = vector.broadcast %shift_right_logical3A_469 : i32 to vector<16xi32>
        %shift_right_logical3A_471 = arith.shrui %get3A_461, %shift_right_logical3A_470 : vector<16xi32>
        %swap3A_472 = arith.constant 96 : index
        %swap3A_473 = tpu.vector_load %arg8[%swap3A_472] {strides = array<i32>} : memref<128xi32, #tpu.memory_space<vmem>>, vector<16xi32>,
        %swap3A_474 = vector.shape_cast %swap3A_473 : vector<16xi32> to vector<16xi32>
        %swap3A_475 = vector.shape_cast %shift_right_logical3A_471 : vector<16xi32> to vector<16xi32>
        tpu.vector_store %arg8[%swap3A_472], %swap3A_475 {strides = array<i32>} : memref<128xi32, #tpu.memory_space<vmem>>, vector<16xi32>,
        %get3A_476 = arith.index_cast %add3A_349 : i32 to index
        %get3A_477 = arith.constant 112 : index
        %get3A_478 = tpu.vector_load %arg6[%get3A_476, %get3A_477] {strides = array<i32>} : memref<80x128xi32, #tpu.memory_space<vmem>>, vector<1x16xi32>,
        %get3A_479 = vector.shape_cast %get3A_478 : vector<1x16xi32> to vector<16xi32>
        %and3A_480 = arith.constant 65535 : i32
        %and3A_481 = vector.broadcast %and3A_480 : i32 to vector<16xi32>
        %and3A_482 = arith.andi %get3A_479, %and3A_481 : vector<16xi32>
        %swap3A_483 = arith.constant 112 : index
        %swap3A_484 = tpu.vector_load %arg7[%swap3A_483] {strides = array<i32>} : memref<128xi32, #tpu.memory_space<vmem>>, vector<16xi32>,
        %swap3A_485 = vector.shape_cast %swap3A_484 : vector<16xi32> to vector<16xi32>
        %swap3A_486 = vector.shape_cast %and3A_482 : vector<16xi32> to vector<16xi32>
        tpu.vector_store %arg7[%swap3A_483], %swap3A_486 {strides = array<i32>} : memref<128xi32, #tpu.memory_space<vmem>>, vector<16xi32>,
        %shift_right_logical3A_487 = arith.constant 16 : i32
        %shift_right_logical3A_488 = vector.broadcast %shift_right_logical3A_487 : i32 to vector<16xi32>
        %shift_right_logical3A_489 = arith.shrui %get3A_479, %shift_right_logical3A_488 : vector<16xi32>
        %swap3A_490 = arith.constant 112 : index
        %swap3A_491 = tpu.vector_load %arg8[%swap3A_490] {strides = array<i32>} : memref<128xi32, #tpu.memory_space<vmem>>, vector<16xi32>,
        %swap3A_492 = vector.shape_cast %swap3A_491 : vector<16xi32> to vector<16xi32>
        %swap3A_493 = vector.shape_cast %shift_right_logical3A_489 : vector<16xi32> to vector<16xi32>
        tpu.vector_store %arg8[%swap3A_490], %swap3A_493 {strides = array<i32>} : memref<128xi32, #tpu.memory_space<vmem>>, vector<16xi32>,
        %dma_start3A_494 = arith.constant 0 : i32
        %dma_start3A_495 = arith.constant 0 : i32
        %dma_start3A_496 = tpu.memref_slice %arg2[%dma_start3A_494, %dma_start3A_495] : memref<10112x128xf32, #tpu.memory_space<hbm>> -> memref<10112x128xf32, #tpu.memory_space<hbm>>
        tpu.enqueue_indirect_dma source(%dma_start3A_496 : memref<10112x128xf32, #tpu.memory_space<hbm>>) target(%arg11 : memref<128x128xf32, #tpu.memory_space<vmem>>) offsets(%arg7 : memref<128xi32, #tpu.memory_space<vmem>>) semaphore(%arg14 : memref<!tpu.dma_semaphore, #tpu.memory_space<semaphore_mem>>)
      } else {
      }
      %dma_start3A_342 = arith.constant 0 : i32
      %dma_start3A_343 = arith.constant 0 : i32
      %dma_start3A_344 = tpu.memref_slice %arg13[%dma_start3A_342, %dma_start3A_343] : memref<10112x128xf32, #tpu.memory_space<vmem_shared>> -> memref<10112x128xf32, #tpu.memory_space<vmem_shared>>
      tpu.enqueue_indirect_dma source(%arg12 : memref<128x128xf32, #tpu.memory_space<vmem>>) target(%dma_start3A_344 : memref<10112x128xf32, #tpu.memory_space<vmem_shared>>) offsets(%arg10 : memref<128xi32, #tpu.memory_space<vmem>>) semaphore(%arg17 : memref<!tpu.dma_semaphore, #tpu.memory_space<semaphore_mem>>) {add = true}
    }
    %scan3A_160 = arith.constant 40 : i32
    %dma_wait3A = arith.constant 0 : i32
    %dma_wait3A_161 = arith.constant 0 : i32
    %dma_wait3A_162 = tpu.memref_slice %arg13[%dma_wait3A, %dma_wait3A_161] : memref<10112x128xf32, #tpu.memory_space<vmem_shared>> -> memref<10112x128xf32, #tpu.memory_space<vmem_shared>>
    tpu.wait_indirect_dma semaphore(%arg16 : memref<!tpu.dma_semaphore, #tpu.memory_space<semaphore_mem>>) src(%arg11 : memref<128x128xf32, #tpu.memory_space<vmem>>) dst(%dma_wait3A_162 : memref<10112x128xf32, #tpu.memory_space<vmem_shared>>)
    %dma_wait3A_163 = arith.constant 0 : i32
    %dma_wait3A_164 = arith.constant 0 : i32
    %dma_wait3A_165 = tpu.memref_slice %arg13[%dma_wait3A_163, %dma_wait3A_164] : memref<10112x128xf32, #tpu.memory_space<vmem_shared>> -> memref<10112x128xf32, #tpu.memory_space<vmem_shared>>
    tpu.wait_indirect_dma semaphore(%arg17 : memref<!tpu.dma_semaphore, #tpu.memory_space<semaphore_mem>>) src(%arg12 : memref<128x128xf32, #tpu.memory_space<vmem>>) dst(%dma_wait3A_165 : memref<10112x128xf32, #tpu.memory_space<vmem_shared>>)
    %barrier3A_166 = arith.constant 0 : index
    tpu.barrier barrier_id(%barrier3A_166)
    %mul3A_167 = arith.constant 632 : i32
    %mul3A_168 = arith.muli %arg1, %mul3A_167 : i32
    %mul3A_169 = arith.constant 632 : i32
    %mul3A_170 = arith.muli %arg1, %mul3A_169 : i32
    "tpu.region"() ({
      %run_scoped3A = tpu.sem_alloc : memref<!tpu.dma_semaphore, #tpu.memory_space<semaphore_mem>>
      %dma_start3A_171 = arith.constant 0 : i32
      %dma_start3A_172 = tpu.memref_slice %arg5[%arg0, %mul3A_170, %dma_start3A_171] : memref<2x10112x128xf32, #tpu.memory_space<hbm>> -> memref<1x632x128xf32, #tpu.memory_space<hbm>>
      %dma_start3A_173 = tpu.memref_squeeze %dma_start3A_172 : memref<1x632x128xf32, #tpu.memory_space<hbm>> -> memref<632x128xf32, #tpu.memory_space<hbm>>
      %dma_start3A_174 = arith.constant 0 : i32
      %dma_start3A_175 = tpu.memref_slice %arg13[%mul3A_168, %dma_start3A_174] : memref<10112x128xf32, #tpu.memory_space<vmem_shared>> -> memref<632x128xf32, #tpu.memory_space<vmem_shared>>
      tpu.enqueue_dma source(%dma_start3A_175 : memref<632x128xf32, #tpu.memory_space<vmem_shared>>) target(%dma_start3A_173 : memref<632x128xf32, #tpu.memory_space<hbm>>) target_semaphore(%run_scoped3A : memref<!tpu.dma_semaphore, #tpu.memory_space<semaphore_mem>>)
      %dma_wait3A_176 = arith.constant 0 : i32
      %dma_wait3A_177 = tpu.memref_slice %arg5[%arg0, %mul3A_170, %dma_wait3A_176] : memref<2x10112x128xf32, #tpu.memory_space<hbm>> -> memref<1x632x128xf32, #tpu.memory_space<hbm>>
      %dma_wait3A_178 = tpu.memref_squeeze %dma_wait3A_177 : memref<1x632x128xf32, #tpu.memory_space<hbm>> -> memref<632x128xf32, #tpu.memory_space<hbm>>
      %dma_wait3A_179 = arith.constant 0 : i32
      %dma_wait3A_180 = tpu.memref_slice %arg13[%mul3A_168, %dma_wait3A_179] : memref<10112x128xf32, #tpu.memory_space<vmem_shared>> -> memref<632x128xf32, #tpu.memory_space<vmem_shared>>
      tpu.wait_dma2 semaphore(%run_scoped3A : memref<!tpu.dma_semaphore, #tpu.memory_space<semaphore_mem>>) src(%dma_wait3A_180 : memref<632x128xf32, #tpu.memory_space<vmem_shared>>) dst(%dma_wait3A_178 : memref<632x128xf32, #tpu.memory_space<hbm>>)
      tpu.yield
    }) : () -> ()
    return
  }
}

#map = affine_map<(d0, d1) -> (0, 0)>
#map1 = affine_map<(d0, d1) -> (0, 0, 0)>
module attributes {stable_mosaic.version = 14 : i64} {
  func.func @_pass_body(%arg0: i32, %arg1: i32, %arg2: memref<10112x128xf32, #tpu.memory_space<hbm>>, %arg3: memref<2560x128xi32, #tpu.memory_space<hbm>>, %arg4: memref<10112x128xf32, #tpu.memory_space<hbm>>, %arg5: memref<2x10112x128xf32, #tpu.memory_space<hbm>>, %arg6: memref<80x128xi32, #tpu.memory_space<vmem>>, %arg7: memref<128xi32, #tpu.memory_space<vmem>>, %arg8: memref<128xi32, #tpu.memory_space<vmem>>, %arg9: memref<128xi32, #tpu.memory_space<vmem>>, %arg10: memref<128xi32, #tpu.memory_space<vmem>>, %arg11: memref<128x128xf32, #tpu.memory_space<vmem>>, %arg12: memref<128x128xf32, #tpu.memory_space<vmem>>, %arg13: memref<10112x128xf32, #tpu.memory_space<vmem_shared>>, %arg14: memref<!tpu.dma_semaphore, #tpu.memory_space<semaphore_mem>>, %arg15: memref<!tpu.dma_semaphore, #tpu.memory_space<semaphore_mem>>, %arg16: memref<!tpu.dma_semaphore, #tpu.memory_space<semaphore_mem>>, %arg17: memref<!tpu.dma_semaphore, #tpu.memory_space<semaphore_mem>>) attributes {dimension_semantics = [#tpu.dimension_semantics<core_parallel>, #tpu.dimension_semantics<subcore_parallel>], iteration_bounds = array<i64: 2, 16>, scalar_prefetch = 0 : i64, scratch_operands = 12 : i64, tpu.core_type = #tpu.core_type<sc_vector_subcore>, window_params = [{transform_indices = #map}, {transform_indices = #map}, {transform_indices = #map}, {transform_indices = #map1}]} {
    %mul3A = arith.constant 2 : i32
    %mul3A_0 = arith.muli %arg1, %mul3A : i32
    %add3A = arith.addi %mul3A_0, %arg0 : i32
    %mul3A_1 = arith.constant 80 : i32
    %mul3A_2 = arith.muli %add3A, %mul3A_1 : i32
    "tpu.region"() ({
      %run_scoped3A = tpu.sem_alloc : memref<!tpu.dma_semaphore, #tpu.memory_space<semaphore_mem>>
      %dma_start3A_171 = arith.constant 0 : i32
      %dma_start3A_172 = tpu.memref_slice %arg3[%mul3A_2, %dma_start3A_171] : memref<2560x128xi32, #tpu.memory_space<hbm>> -> memref<80x128xi32, #tpu.memory_space<hbm>>
      %dma_start3A_173 = arith.constant 0 : i32
      %dma_start3A_174 = tpu.memref_slice %arg3[%mul3A_2, %dma_start3A_173] : memref<2560x128xi32, #tpu.memory_space<hbm>> -> memref<80x128xi32, #tpu.memory_space<hbm>>
      tpu.enqueue_dma source(%dma_start3A_174 : memref<80x128xi32, #tpu.memory_space<hbm>>) target(%arg6 : memref<80x128xi32, #tpu.memory_space<vmem>>) target_semaphore(%run_scoped3A : memref<!tpu.dma_semaphore, #tpu.memory_space<semaphore_mem>>)
      %dma_wait3A_175 = arith.constant 0 : i32
      %dma_wait3A_176 = tpu.memref_slice %arg3[%mul3A_2, %dma_wait3A_175] : memref<2560x128xi32, #tpu.memory_space<hbm>> -> memref<80x128xi32, #tpu.memory_space<hbm>>
      %dma_wait3A_177 = arith.constant 0 : i32
      %dma_wait3A_178 = tpu.memref_slice %arg3[%mul3A_2, %dma_wait3A_177] : memref<2560x128xi32, #tpu.memory_space<hbm>> -> memref<80x128xi32, #tpu.memory_space<hbm>>
      tpu.wait_dma2 semaphore(%run_scoped3A : memref<!tpu.dma_semaphore, #tpu.memory_space<semaphore_mem>>) src(%dma_wait3A_178 : memref<80x128xi32, #tpu.memory_space<hbm>>) dst(%arg6 : memref<80x128xi32, #tpu.memory_space<vmem>>)
      tpu.yield
    }) : () -> ()
    %mul3A_3 = arith.constant 632 : i32
    %mul3A_4 = arith.muli %arg1, %mul3A_3 : i32
    %mul3A_5 = arith.constant 632 : i32
    %mul3A_6 = arith.muli %arg1, %mul3A_5 : i32
    "tpu.region"() ({
      %run_scoped3A = tpu.sem_alloc : memref<!tpu.dma_semaphore, #tpu.memory_space<semaphore_mem>>
      %dma_start3A_171 = arith.constant 0 : i32
      %dma_start3A_172 = tpu.memref_slice %arg13[%mul3A_6, %dma_start3A_171] : memref<10112x128xf32, #tpu.memory_space<vmem_shared>> -> memref<632x128xf32, #tpu.memory_space<vmem_shared>>
      %dma_start3A_173 = arith.constant 0 : i32
      %dma_start3A_174 = tpu.memref_slice %arg4[%mul3A_4, %dma_start3A_173] : memref<10112x128xf32, #tpu.memory_space<hbm>> -> memref<632x128xf32, #tpu.memory_space<hbm>>
      tpu.enqueue_dma source(%dma_start3A_174 : memref<632x128xf32, #tpu.memory_space<hbm>>) target(%dma_start3A_172 : memref<632x128xf32, #tpu.memory_space<vmem_shared>>) target_semaphore(%run_scoped3A : memref<!tpu.dma_semaphore, #tpu.memory_space<semaphore_mem>>)
      %dma_wait3A_175 = arith.constant 0 : i32
      %dma_wait3A_176 = tpu.memref_slice %arg13[%mul3A_6, %dma_wait3A_175] : memref<10112x128xf32, #tpu.memory_space<vmem_shared>> -> memref<632x128xf32, #tpu.memory_space<vmem_shared>>
      %dma_wait3A_177 = arith.constant 0 : i32
      %dma_wait3A_178 = tpu.memref_slice %arg4[%mul3A_4, %dma_wait3A_177] : memref<10112x128xf32, #tpu.memory_space<hbm>> -> memref<632x128xf32, #tpu.memory_space<hbm>>
      tpu.wait_dma2 semaphore(%run_scoped3A : memref<!tpu.dma_semaphore, #tpu.memory_space<semaphore_mem>>) src(%dma_wait3A_178 : memref<632x128xf32, #tpu.memory_space<hbm>>) dst(%dma_wait3A_176 : memref<632x128xf32, #tpu.memory_space<vmem_shared>>)
      tpu.yield
    }) : () -> ()
    %barrier3A = arith.constant 0 : index
    tpu.barrier barrier_id(%barrier3A)
    %get3A = arith.constant 0 : i32
    %get3A_7 = arith.index_cast %get3A : i32 to index
    %get3A_8 = arith.constant 0 : index
    %get3A_9 = tpu.vector_load %arg6[%get3A_7, %get3A_8] {strides = array<i32>} : memref<80x128xi32, #tpu.memory_space<vmem>>, vector<1x16xi32>,
    %get3A_10 = vector.shape_cast %get3A_9 : vector<1x16xi32> to vector<16xi32>
    %and3A = arith.constant 65535 : i32
    %and3A_11 = vector.broadcast %and3A : i32 to vector<16xi32>
    %and3A_12 = arith.andi %get3A_10, %and3A_11 : vector<16xi32>
    %swap3A = arith.constant 0 : index
    %swap3A_13 = tpu.vector_load %arg7[%swap3A] {strides = array<i32>} : memref<128xi32, #tpu.memory_space<vmem>>, vector<16xi32>,
    %swap3A_14 = vector.shape_cast %swap3A_13 : vector<16xi32> to vector<16xi32>
    %swap3A_15 = vector.shape_cast %and3A_12 : vector<16xi32> to vector<16xi32>
    tpu.vector_store %arg7[%swap3A], %swap3A_15 {strides = array<i32>} : memref<128xi32, #tpu.memory_space<vmem>>, vector<16xi32>,
    %shift_right_logical3A = arith.constant 16 : i32
    %shift_right_logical3A_16 = vector.broadcast %shift_right_logical3A : i32 to vector<16xi32>
    %shift_right_logical3A_17 = arith.shrui %get3A_10, %shift_right_logical3A_16 : vector<16xi32>
    %swap3A_18 = arith.constant 0 : index
    %swap3A_19 = tpu.vector_load %arg8[%swap3A_18] {strides = array<i32>} : memref<128xi32, #tpu.memory_space<vmem>>, vector<16xi32>,
    %swap3A_20 = vector.shape_cast %swap3A_19 : vector<16xi32> to vector<16xi32>
    %swap3A_21 = vector.shape_cast %shift_right_logical3A_17 : vector<16xi32> to vector<16xi32>
    tpu.vector_store %arg8[%swap3A_18], %swap3A_21 {strides = array<i32>} : memref<128xi32, #tpu.memory_space<vmem>>, vector<16xi32>,
    %get3A_22 = arith.constant 0 : i32
    %get3A_23 = arith.index_cast %get3A_22 : i32 to index
    %get3A_24 = arith.constant 16 : index
    %get3A_25 = tpu.vector_load %arg6[%get3A_23, %get3A_24] {strides = array<i32>} : memref<80x128xi32, #tpu.memory_space<vmem>>, vector<1x16xi32>,
    %get3A_26 = vector.shape_cast %get3A_25 : vector<1x16xi32> to vector<16xi32>
    %and3A_27 = arith.constant 65535 : i32
    %and3A_28 = vector.broadcast %and3A_27 : i32 to vector<16xi32>
    %and3A_29 = arith.andi %get3A_26, %and3A_28 : vector<16xi32>
    %swap3A_30 = arith.constant 16 : index
    %swap3A_31 = tpu.vector_load %arg7[%swap3A_30] {strides = array<i32>} : memref<128xi32, #tpu.memory_space<vmem>>, vector<16xi32>,
    %swap3A_32 = vector.shape_cast %swap3A_31 : vector<16xi32> to vector<16xi32>
    %swap3A_33 = vector.shape_cast %and3A_29 : vector<16xi32> to vector<16xi32>
    tpu.vector_store %arg7[%swap3A_30], %swap3A_33 {strides = array<i32>} : memref<128xi32, #tpu.memory_space<vmem>>, vector<16xi32>,
    %shift_right_logical3A_34 = arith.constant 16 : i32
    %shift_right_logical3A_35 = vector.broadcast %shift_right_logical3A_34 : i32 to vector<16xi32>
    %shift_right_logical3A_36 = arith.shrui %get3A_26, %shift_right_logical3A_35 : vector<16xi32>
    %swap3A_37 = arith.constant 16 : index
    %swap3A_38 = tpu.vector_load %arg8[%swap3A_37] {strides = array<i32>} : memref<128xi32, #tpu.memory_space<vmem>>, vector<16xi32>,
    %swap3A_39 = vector.shape_cast %swap3A_38 : vector<16xi32> to vector<16xi32>
    %swap3A_40 = vector.shape_cast %shift_right_logical3A_36 : vector<16xi32> to vector<16xi32>
    tpu.vector_store %arg8[%swap3A_37], %swap3A_40 {strides = array<i32>} : memref<128xi32, #tpu.memory_space<vmem>>, vector<16xi32>,
    %get3A_41 = arith.constant 0 : i32
    %get3A_42 = arith.index_cast %get3A_41 : i32 to index
    %get3A_43 = arith.constant 32 : index
    %get3A_44 = tpu.vector_load %arg6[%get3A_42, %get3A_43] {strides = array<i32>} : memref<80x128xi32, #tpu.memory_space<vmem>>, vector<1x16xi32>,
    %get3A_45 = vector.shape_cast %get3A_44 : vector<1x16xi32> to vector<16xi32>
    %and3A_46 = arith.constant 65535 : i32
    %and3A_47 = vector.broadcast %and3A_46 : i32 to vector<16xi32>
    %and3A_48 = arith.andi %get3A_45, %and3A_47 : vector<16xi32>
    %swap3A_49 = arith.constant 32 : index
    %swap3A_50 = tpu.vector_load %arg7[%swap3A_49] {strides = array<i32>} : memref<128xi32, #tpu.memory_space<vmem>>, vector<16xi32>,
    %swap3A_51 = vector.shape_cast %swap3A_50 : vector<16xi32> to vector<16xi32>
    %swap3A_52 = vector.shape_cast %and3A_48 : vector<16xi32> to vector<16xi32>
    tpu.vector_store %arg7[%swap3A_49], %swap3A_52 {strides = array<i32>} : memref<128xi32, #tpu.memory_space<vmem>>, vector<16xi32>,
    %shift_right_logical3A_53 = arith.constant 16 : i32
    %shift_right_logical3A_54 = vector.broadcast %shift_right_logical3A_53 : i32 to vector<16xi32>
    %shift_right_logical3A_55 = arith.shrui %get3A_45, %shift_right_logical3A_54 : vector<16xi32>
    %swap3A_56 = arith.constant 32 : index
    %swap3A_57 = tpu.vector_load %arg8[%swap3A_56] {strides = array<i32>} : memref<128xi32, #tpu.memory_space<vmem>>, vector<16xi32>,
    %swap3A_58 = vector.shape_cast %swap3A_57 : vector<16xi32> to vector<16xi32>
    %swap3A_59 = vector.shape_cast %shift_right_logical3A_55 : vector<16xi32> to vector<16xi32>
    tpu.vector_store %arg8[%swap3A_56], %swap3A_59 {strides = array<i32>} : memref<128xi32, #tpu.memory_space<vmem>>, vector<16xi32>,
    %get3A_60 = arith.constant 0 : i32
    %get3A_61 = arith.index_cast %get3A_60 : i32 to index
    %get3A_62 = arith.constant 48 : index
    %get3A_63 = tpu.vector_load %arg6[%get3A_61, %get3A_62] {strides = array<i32>} : memref<80x128xi32, #tpu.memory_space<vmem>>, vector<1x16xi32>,
    %get3A_64 = vector.shape_cast %get3A_63 : vector<1x16xi32> to vector<16xi32>
    %and3A_65 = arith.constant 65535 : i32
    %and3A_66 = vector.broadcast %and3A_65 : i32 to vector<16xi32>
    %and3A_67 = arith.andi %get3A_64, %and3A_66 : vector<16xi32>
    %swap3A_68 = arith.constant 48 : index
    %swap3A_69 = tpu.vector_load %arg7[%swap3A_68] {strides = array<i32>} : memref<128xi32, #tpu.memory_space<vmem>>, vector<16xi32>,
    %swap3A_70 = vector.shape_cast %swap3A_69 : vector<16xi32> to vector<16xi32>
    %swap3A_71 = vector.shape_cast %and3A_67 : vector<16xi32> to vector<16xi32>
    tpu.vector_store %arg7[%swap3A_68], %swap3A_71 {strides = array<i32>} : memref<128xi32, #tpu.memory_space<vmem>>, vector<16xi32>,
    %shift_right_logical3A_72 = arith.constant 16 : i32
    %shift_right_logical3A_73 = vector.broadcast %shift_right_logical3A_72 : i32 to vector<16xi32>
    %shift_right_logical3A_74 = arith.shrui %get3A_64, %shift_right_logical3A_73 : vector<16xi32>
    %swap3A_75 = arith.constant 48 : index
    %swap3A_76 = tpu.vector_load %arg8[%swap3A_75] {strides = array<i32>} : memref<128xi32, #tpu.memory_space<vmem>>, vector<16xi32>,
    %swap3A_77 = vector.shape_cast %swap3A_76 : vector<16xi32> to vector<16xi32>
    %swap3A_78 = vector.shape_cast %shift_right_logical3A_74 : vector<16xi32> to vector<16xi32>
    tpu.vector_store %arg8[%swap3A_75], %swap3A_78 {strides = array<i32>} : memref<128xi32, #tpu.memory_space<vmem>>, vector<16xi32>,
    %get3A_79 = arith.constant 0 : i32
    %get3A_80 = arith.index_cast %get3A_79 : i32 to index
    %get3A_81 = arith.constant 64 : index
    %get3A_82 = tpu.vector_load %arg6[%get3A_80, %get3A_81] {strides = array<i32>} : memref<80x128xi32, #tpu.memory_space<vmem>>, vector<1x16xi32>,
    %get3A_83 = vector.shape_cast %get3A_82 : vector<1x16xi32> to vector<16xi32>
    %and3A_84 = arith.constant 65535 : i32
    %and3A_85 = vector.broadcast %and3A_84 : i32 to vector<16xi32>
    %and3A_86 = arith.andi %get3A_83, %and3A_85 : vector<16xi32>
    %swap3A_87 = arith.constant 64 : index
    %swap3A_88 = tpu.vector_load %arg7[%swap3A_87] {strides = array<i32>} : memref<128xi32, #tpu.memory_space<vmem>>, vector<16xi32>,
    %swap3A_89 = vector.shape_cast %swap3A_88 : vector<16xi32> to vector<16xi32>
    %swap3A_90 = vector.shape_cast %and3A_86 : vector<16xi32> to vector<16xi32>
    tpu.vector_store %arg7[%swap3A_87], %swap3A_90 {strides = array<i32>} : memref<128xi32, #tpu.memory_space<vmem>>, vector<16xi32>,
    %shift_right_logical3A_91 = arith.constant 16 : i32
    %shift_right_logical3A_92 = vector.broadcast %shift_right_logical3A_91 : i32 to vector<16xi32>
    %shift_right_logical3A_93 = arith.shrui %get3A_83, %shift_right_logical3A_92 : vector<16xi32>
    %swap3A_94 = arith.constant 64 : index
    %swap3A_95 = tpu.vector_load %arg8[%swap3A_94] {strides = array<i32>} : memref<128xi32, #tpu.memory_space<vmem>>, vector<16xi32>,
    %swap3A_96 = vector.shape_cast %swap3A_95 : vector<16xi32> to vector<16xi32>
    %swap3A_97 = vector.shape_cast %shift_right_logical3A_93 : vector<16xi32> to vector<16xi32>
    tpu.vector_store %arg8[%swap3A_94], %swap3A_97 {strides = array<i32>} : memref<128xi32, #tpu.memory_space<vmem>>, vector<16xi32>,
    %get3A_98 = arith.constant 0 : i32
    %get3A_99 = arith.index_cast %get3A_98 : i32 to index
    %get3A_100 = arith.constant 80 : index
    %get3A_101 = tpu.vector_load %arg6[%get3A_99, %get3A_100] {strides = array<i32>} : memref<80x128xi32, #tpu.memory_space<vmem>>, vector<1x16xi32>,
    %get3A_102 = vector.shape_cast %get3A_101 : vector<1x16xi32> to vector<16xi32>
    %and3A_103 = arith.constant 65535 : i32
    %and3A_104 = vector.broadcast %and3A_103 : i32 to vector<16xi32>
    %and3A_105 = arith.andi %get3A_102, %and3A_104 : vector<16xi32>
    %swap3A_106 = arith.constant 80 : index
    %swap3A_107 = tpu.vector_load %arg7[%swap3A_106] {strides = array<i32>} : memref<128xi32, #tpu.memory_space<vmem>>, vector<16xi32>,
    %swap3A_108 = vector.shape_cast %swap3A_107 : vector<16xi32> to vector<16xi32>
    %swap3A_109 = vector.shape_cast %and3A_105 : vector<16xi32> to vector<16xi32>
    tpu.vector_store %arg7[%swap3A_106], %swap3A_109 {strides = array<i32>} : memref<128xi32, #tpu.memory_space<vmem>>, vector<16xi32>,
    %shift_right_logical3A_110 = arith.constant 16 : i32
    %shift_right_logical3A_111 = vector.broadcast %shift_right_logical3A_110 : i32 to vector<16xi32>
    %shift_right_logical3A_112 = arith.shrui %get3A_102, %shift_right_logical3A_111 : vector<16xi32>
    %swap3A_113 = arith.constant 80 : index
    %swap3A_114 = tpu.vector_load %arg8[%swap3A_113] {strides = array<i32>} : memref<128xi32, #tpu.memory_space<vmem>>, vector<16xi32>,
    %swap3A_115 = vector.shape_cast %swap3A_114 : vector<16xi32> to vector<16xi32>
    %swap3A_116 = vector.shape_cast %shift_right_logical3A_112 : vector<16xi32> to vector<16xi32>
    tpu.vector_store %arg8[%swap3A_113], %swap3A_116 {strides = array<i32>} : memref<128xi32, #tpu.memory_space<vmem>>, vector<16xi32>,
    %get3A_117 = arith.constant 0 : i32
    %get3A_118 = arith.index_cast %get3A_117 : i32 to index
    %get3A_119 = arith.constant 96 : index
    %get3A_120 = tpu.vector_load %arg6[%get3A_118, %get3A_119] {strides = array<i32>} : memref<80x128xi32, #tpu.memory_space<vmem>>, vector<1x16xi32>,
    %get3A_121 = vector.shape_cast %get3A_120 : vector<1x16xi32> to vector<16xi32>
    %and3A_122 = arith.constant 65535 : i32
    %and3A_123 = vector.broadcast %and3A_122 : i32 to vector<16xi32>
    %and3A_124 = arith.andi %get3A_121, %and3A_123 : vector<16xi32>
    %swap3A_125 = arith.constant 96 : index
    %swap3A_126 = tpu.vector_load %arg7[%swap3A_125] {strides = array<i32>} : memref<128xi32, #tpu.memory_space<vmem>>, vector<16xi32>,
    %swap3A_127 = vector.shape_cast %swap3A_126 : vector<16xi32> to vector<16xi32>
    %swap3A_128 = vector.shape_cast %and3A_124 : vector<16xi32> to vector<16xi32>
    tpu.vector_store %arg7[%swap3A_125], %swap3A_128 {strides = array<i32>} : memref<128xi32, #tpu.memory_space<vmem>>, vector<16xi32>,
    %shift_right_logical3A_129 = arith.constant 16 : i32
    %shift_right_logical3A_130 = vector.broadcast %shift_right_logical3A_129 : i32 to vector<16xi32>
    %shift_right_logical3A_131 = arith.shrui %get3A_121, %shift_right_logical3A_130 : vector<16xi32>
    %swap3A_132 = arith.constant 96 : index
    %swap3A_133 = tpu.vector_load %arg8[%swap3A_132] {strides = array<i32>} : memref<128xi32, #tpu.memory_space<vmem>>, vector<16xi32>,
    %swap3A_134 = vector.shape_cast %swap3A_133 : vector<16xi32> to vector<16xi32>
    %swap3A_135 = vector.shape_cast %shift_right_logical3A_131 : vector<16xi32> to vector<16xi32>
    tpu.vector_store %arg8[%swap3A_132], %swap3A_135 {strides = array<i32>} : memref<128xi32, #tpu.memory_space<vmem>>, vector<16xi32>,
    %get3A_136 = arith.constant 0 : i32
    %get3A_137 = arith.index_cast %get3A_136 : i32 to index
    %get3A_138 = arith.constant 112 : index
    %get3A_139 = tpu.vector_load %arg6[%get3A_137, %get3A_138] {strides = array<i32>} : memref<80x128xi32, #tpu.memory_space<vmem>>, vector<1x16xi32>,
    %get3A_140 = vector.shape_cast %get3A_139 : vector<1x16xi32> to vector<16xi32>
    %and3A_141 = arith.constant 65535 : i32
    %and3A_142 = vector.broadcast %and3A_141 : i32 to vector<16xi32>
    %and3A_143 = arith.andi %get3A_140, %and3A_142 : vector<16xi32>
    %swap3A_144 = arith.constant 112 : index
    %swap3A_145 = tpu.vector_load %arg7[%swap3A_144] {strides = array<i32>} : memref<128xi32, #tpu.memory_space<vmem>>, vector<16xi32>,
    %swap3A_146 = vector.shape_cast %swap3A_145 : vector<16xi32> to vector<16xi32>
    %swap3A_147 = vector.shape_cast %and3A_143 : vector<16xi32> to vector<16xi32>
    tpu.vector_store %arg7[%swap3A_144], %swap3A_147 {strides = array<i32>} : memref<128xi32, #tpu.memory_space<vmem>>, vector<16xi32>,
    %shift_right_logical3A_148 = arith.constant 16 : i32
    %shift_right_logical3A_149 = vector.broadcast %shift_right_logical3A_148 : i32 to vector<16xi32>
    %shift_right_logical3A_150 = arith.shrui %get3A_140, %shift_right_logical3A_149 : vector<16xi32>
    %swap3A_151 = arith.constant 112 : index
    %swap3A_152 = tpu.vector_load %arg8[%swap3A_151] {strides = array<i32>} : memref<128xi32, #tpu.memory_space<vmem>>, vector<16xi32>,
    %swap3A_153 = vector.shape_cast %swap3A_152 : vector<16xi32> to vector<16xi32>
    %swap3A_154 = vector.shape_cast %shift_right_logical3A_150 : vector<16xi32> to vector<16xi32>
    tpu.vector_store %arg8[%swap3A_151], %swap3A_154 {strides = array<i32>} : memref<128xi32, #tpu.memory_space<vmem>>, vector<16xi32>,
    %dma_start3A = arith.constant 0 : i32
    %dma_start3A_155 = arith.constant 0 : i32
    %dma_start3A_156 = tpu.memref_slice %arg2[%dma_start3A, %dma_start3A_155] : memref<10112x128xf32, #tpu.memory_space<hbm>> -> memref<10112x128xf32, #tpu.memory_space<hbm>>
    tpu.enqueue_indirect_dma source(%dma_start3A_156 : memref<10112x128xf32, #tpu.memory_space<hbm>>) target(%arg11 : memref<128x128xf32, #tpu.memory_space<vmem>>) offsets(%arg7 : memref<128xi32, #tpu.memory_space<vmem>>) semaphore(%arg14 : memref<!tpu.dma_semaphore, #tpu.memory_space<semaphore_mem>>)
    %scan3A = arith.constant 0 : i32
    %scan3A_157 = arith.constant 40 : i32
    %scan3A_158 = arith.addi %scan3A, %scan3A_157 : i32
    %scan3A_159 = arith.constant 1 : i32
    scf.for %scan3A_171 = %scan3A to %scan3A_158 step %scan3A_159  : i32 {
      %mul3A_172 = arith.constant 1 : i32
      %mul3A_173 = arith.muli %scan3A_171, %mul3A_172 : i32
      %add3A_174 = arith.constant 0 : i32
      %add3A_175 = arith.addi %add3A_174, %mul3A_173 : i32
      %mul3A_176 = arith.constant 2 : i32
      %mul3A_177 = arith.muli %mul3A_176, %add3A_175 : i32
      %dma_wait3A_178 = arith.constant 0 : i32
      %dma_wait3A_179 = arith.constant 0 : i32
      %dma_wait3A_180 = tpu.memref_slice %arg2[%dma_wait3A_178, %dma_wait3A_179] : memref<10112x128xf32, #tpu.memory_space<hbm>> -> memref<10112x128xf32, #tpu.memory_space<hbm>>
      tpu.wait_indirect_dma semaphore(%arg14 : memref<!tpu.dma_semaphore, #tpu.memory_space<semaphore_mem>>) src(%dma_wait3A_180 : memref<10112x128xf32, #tpu.memory_space<hbm>>) dst(%arg11 : memref<128x128xf32, #tpu.memory_space<vmem>>)
      %gt3A = arith.constant 0 : i32
      %gt3A_181 = arith.cmpi sgt, %add3A_175, %gt3A : i32
      %convert_element_type3A = arith.extui %gt3A_181 : i1 to i32
      %cond3A = arith.constant 0 : i32
      %cond3A_182 = arith.cmpi ne, %convert_element_type3A, %cond3A : i32
      scf.if %cond3A_182 {
        %dma_wait3A_345 = arith.constant 0 : i32
        %dma_wait3A_346 = arith.constant 0 : i32
        %dma_wait3A_347 = tpu.memref_slice %arg13[%dma_wait3A_345, %dma_wait3A_346] : memref<10112x128xf32, #tpu.memory_space<vmem_shared>> -> memref<10112x128xf32, #tpu.memory_space<vmem_shared>>
        tpu.wait_indirect_dma semaphore(%arg17 : memref<!tpu.dma_semaphore, #tpu.memory_space<semaphore_mem>>) src(%arg12 : memref<128x128xf32, #tpu.memory_space<vmem>>) dst(%dma_wait3A_347 : memref<10112x128xf32, #tpu.memory_space<vmem_shared>>)
      } else {
      }
      %add3A_183 = arith.constant 1 : i32
      %add3A_184 = arith.addi %mul3A_177, %add3A_183 : i32
      %get3A_185 = arith.index_cast %add3A_184 : i32 to index
      %get3A_186 = arith.constant 0 : index
      %get3A_187 = tpu.vector_load %arg6[%get3A_185, %get3A_186] {strides = array<i32>} : memref<80x128xi32, #tpu.memory_space<vmem>>, vector<1x16xi32>,
      %get3A_188 = vector.shape_cast %get3A_187 : vector<1x16xi32> to vector<16xi32>
      %and3A_189 = arith.constant 65535 : i32
      %and3A_190 = vector.broadcast %and3A_189 : i32 to vector<16xi32>
      %and3A_191 = arith.andi %get3A_188, %and3A_190 : vector<16xi32>
      %swap3A_192 = arith.constant 0 : index
      %swap3A_193 = tpu.vector_load %arg9[%swap3A_192] {strides = array<i32>} : memref<128xi32, #tpu.memory_space<vmem>>, vector<16xi32>,
      %swap3A_194 = vector.shape_cast %swap3A_193 : vector<16xi32> to vector<16xi32>
      %swap3A_195 = vector.shape_cast %and3A_191 : vector<16xi32> to vector<16xi32>
      tpu.vector_store %arg9[%swap3A_192], %swap3A_195 {strides = array<i32>} : memref<128xi32, #tpu.memory_space<vmem>>, vector<16xi32>,
      %shift_right_logical3A_196 = arith.constant 16 : i32
      %shift_right_logical3A_197 = vector.broadcast %shift_right_logical3A_196 : i32 to vector<16xi32>
      %shift_right_logical3A_198 = arith.shrui %get3A_188, %shift_right_logical3A_197 : vector<16xi32>
      %swap3A_199 = arith.constant 0 : index
      %swap3A_200 = tpu.vector_load %arg10[%swap3A_199] {strides = array<i32>} : memref<128xi32, #tpu.memory_space<vmem>>, vector<16xi32>,
      %swap3A_201 = vector.shape_cast %swap3A_200 : vector<16xi32> to vector<16xi32>
      %swap3A_202 = vector.shape_cast %shift_right_logical3A_198 : vector<16xi32> to vector<16xi32>
      tpu.vector_store %arg10[%swap3A_199], %swap3A_202 {strides = array<i32>} : memref<128xi32, #tpu.memory_space<vmem>>, vector<16xi32>,
      %get3A_203 = arith.index_cast %add3A_184 : i32 to index
      %get3A_204 = arith.constant 16 : index
      %get3A_205 = tpu.vector_load %arg6[%get3A_203, %get3A_204] {strides = array<i32>} : memref<80x128xi32, #tpu.memory_space<vmem>>, vector<1x16xi32>,
      %get3A_206 = vector.shape_cast %get3A_205 : vector<1x16xi32> to vector<16xi32>
      %and3A_207 = arith.constant 65535 : i32
      %and3A_208 = vector.broadcast %and3A_207 : i32 to vector<16xi32>
      %and3A_209 = arith.andi %get3A_206, %and3A_208 : vector<16xi32>
      %swap3A_210 = arith.constant 16 : index
      %swap3A_211 = tpu.vector_load %arg9[%swap3A_210] {strides = array<i32>} : memref<128xi32, #tpu.memory_space<vmem>>, vector<16xi32>,
      %swap3A_212 = vector.shape_cast %swap3A_211 : vector<16xi32> to vector<16xi32>
      %swap3A_213 = vector.shape_cast %and3A_209 : vector<16xi32> to vector<16xi32>
      tpu.vector_store %arg9[%swap3A_210], %swap3A_213 {strides = array<i32>} : memref<128xi32, #tpu.memory_space<vmem>>, vector<16xi32>,
      %shift_right_logical3A_214 = arith.constant 16 : i32
      %shift_right_logical3A_215 = vector.broadcast %shift_right_logical3A_214 : i32 to vector<16xi32>
      %shift_right_logical3A_216 = arith.shrui %get3A_206, %shift_right_logical3A_215 : vector<16xi32>
      %swap3A_217 = arith.constant 16 : index
      %swap3A_218 = tpu.vector_load %arg10[%swap3A_217] {strides = array<i32>} : memref<128xi32, #tpu.memory_space<vmem>>, vector<16xi32>,
      %swap3A_219 = vector.shape_cast %swap3A_218 : vector<16xi32> to vector<16xi32>
      %swap3A_220 = vector.shape_cast %shift_right_logical3A_216 : vector<16xi32> to vector<16xi32>
      tpu.vector_store %arg10[%swap3A_217], %swap3A_220 {strides = array<i32>} : memref<128xi32, #tpu.memory_space<vmem>>, vector<16xi32>,
      %get3A_221 = arith.index_cast %add3A_184 : i32 to index
      %get3A_222 = arith.constant 32 : index
      %get3A_223 = tpu.vector_load %arg6[%get3A_221, %get3A_222] {strides = array<i32>} : memref<80x128xi32, #tpu.memory_space<vmem>>, vector<1x16xi32>,
      %get3A_224 = vector.shape_cast %get3A_223 : vector<1x16xi32> to vector<16xi32>
      %and3A_225 = arith.constant 65535 : i32
      %and3A_226 = vector.broadcast %and3A_225 : i32 to vector<16xi32>
      %and3A_227 = arith.andi %get3A_224, %and3A_226 : vector<16xi32>
      %swap3A_228 = arith.constant 32 : index
      %swap3A_229 = tpu.vector_load %arg9[%swap3A_228] {strides = array<i32>} : memref<128xi32, #tpu.memory_space<vmem>>, vector<16xi32>,
      %swap3A_230 = vector.shape_cast %swap3A_229 : vector<16xi32> to vector<16xi32>
      %swap3A_231 = vector.shape_cast %and3A_227 : vector<16xi32> to vector<16xi32>
      tpu.vector_store %arg9[%swap3A_228], %swap3A_231 {strides = array<i32>} : memref<128xi32, #tpu.memory_space<vmem>>, vector<16xi32>,
      %shift_right_logical3A_232 = arith.constant 16 : i32
      %shift_right_logical3A_233 = vector.broadcast %shift_right_logical3A_232 : i32 to vector<16xi32>
      %shift_right_logical3A_234 = arith.shrui %get3A_224, %shift_right_logical3A_233 : vector<16xi32>
      %swap3A_235 = arith.constant 32 : index
      %swap3A_236 = tpu.vector_load %arg10[%swap3A_235] {strides = array<i32>} : memref<128xi32, #tpu.memory_space<vmem>>, vector<16xi32>,
      %swap3A_237 = vector.shape_cast %swap3A_236 : vector<16xi32> to vector<16xi32>
      %swap3A_238 = vector.shape_cast %shift_right_logical3A_234 : vector<16xi32> to vector<16xi32>
      tpu.vector_store %arg10[%swap3A_235], %swap3A_238 {strides = array<i32>} : memref<128xi32, #tpu.memory_space<vmem>>, vector<16xi32>,
      %get3A_239 = arith.index_cast %add3A_184 : i32 to index
      %get3A_240 = arith.constant 48 : index
      %get3A_241 = tpu.vector_load %arg6[%get3A_239, %get3A_240] {strides = array<i32>} : memref<80x128xi32, #tpu.memory_space<vmem>>, vector<1x16xi32>,
      %get3A_242 = vector.shape_cast %get3A_241 : vector<1x16xi32> to vector<16xi32>
      %and3A_243 = arith.constant 65535 : i32
      %and3A_244 = vector.broadcast %and3A_243 : i32 to vector<16xi32>
      %and3A_245 = arith.andi %get3A_242, %and3A_244 : vector<16xi32>
      %swap3A_246 = arith.constant 48 : index
      %swap3A_247 = tpu.vector_load %arg9[%swap3A_246] {strides = array<i32>} : memref<128xi32, #tpu.memory_space<vmem>>, vector<16xi32>,
      %swap3A_248 = vector.shape_cast %swap3A_247 : vector<16xi32> to vector<16xi32>
      %swap3A_249 = vector.shape_cast %and3A_245 : vector<16xi32> to vector<16xi32>
      tpu.vector_store %arg9[%swap3A_246], %swap3A_249 {strides = array<i32>} : memref<128xi32, #tpu.memory_space<vmem>>, vector<16xi32>,
      %shift_right_logical3A_250 = arith.constant 16 : i32
      %shift_right_logical3A_251 = vector.broadcast %shift_right_logical3A_250 : i32 to vector<16xi32>
      %shift_right_logical3A_252 = arith.shrui %get3A_242, %shift_right_logical3A_251 : vector<16xi32>
      %swap3A_253 = arith.constant 48 : index
      %swap3A_254 = tpu.vector_load %arg10[%swap3A_253] {strides = array<i32>} : memref<128xi32, #tpu.memory_space<vmem>>, vector<16xi32>,
      %swap3A_255 = vector.shape_cast %swap3A_254 : vector<16xi32> to vector<16xi32>
      %swap3A_256 = vector.shape_cast %shift_right_logical3A_252 : vector<16xi32> to vector<16xi32>
      tpu.vector_store %arg10[%swap3A_253], %swap3A_256 {strides = array<i32>} : memref<128xi32, #tpu.memory_space<vmem>>, vector<16xi32>,
      %get3A_257 = arith.index_cast %add3A_184 : i32 to index
      %get3A_258 = arith.constant 64 : index
      %get3A_259 = tpu.vector_load %arg6[%get3A_257, %get3A_258] {strides = array<i32>} : memref<80x128xi32, #tpu.memory_space<vmem>>, vector<1x16xi32>,
      %get3A_260 = vector.shape_cast %get3A_259 : vector<1x16xi32> to vector<16xi32>
      %and3A_261 = arith.constant 65535 : i32
      %and3A_262 = vector.broadcast %and3A_261 : i32 to vector<16xi32>
      %and3A_263 = arith.andi %get3A_260, %and3A_262 : vector<16xi32>
      %swap3A_264 = arith.constant 64 : index
      %swap3A_265 = tpu.vector_load %arg9[%swap3A_264] {strides = array<i32>} : memref<128xi32, #tpu.memory_space<vmem>>, vector<16xi32>,
      %swap3A_266 = vector.shape_cast %swap3A_265 : vector<16xi32> to vector<16xi32>
      %swap3A_267 = vector.shape_cast %and3A_263 : vector<16xi32> to vector<16xi32>
      tpu.vector_store %arg9[%swap3A_264], %swap3A_267 {strides = array<i32>} : memref<128xi32, #tpu.memory_space<vmem>>, vector<16xi32>,
      %shift_right_logical3A_268 = arith.constant 16 : i32
      %shift_right_logical3A_269 = vector.broadcast %shift_right_logical3A_268 : i32 to vector<16xi32>
      %shift_right_logical3A_270 = arith.shrui %get3A_260, %shift_right_logical3A_269 : vector<16xi32>
      %swap3A_271 = arith.constant 64 : index
      %swap3A_272 = tpu.vector_load %arg10[%swap3A_271] {strides = array<i32>} : memref<128xi32, #tpu.memory_space<vmem>>, vector<16xi32>,
      %swap3A_273 = vector.shape_cast %swap3A_272 : vector<16xi32> to vector<16xi32>
      %swap3A_274 = vector.shape_cast %shift_right_logical3A_270 : vector<16xi32> to vector<16xi32>
      tpu.vector_store %arg10[%swap3A_271], %swap3A_274 {strides = array<i32>} : memref<128xi32, #tpu.memory_space<vmem>>, vector<16xi32>,
      %get3A_275 = arith.index_cast %add3A_184 : i32 to index
      %get3A_276 = arith.constant 80 : index
      %get3A_277 = tpu.vector_load %arg6[%get3A_275, %get3A_276] {strides = array<i32>} : memref<80x128xi32, #tpu.memory_space<vmem>>, vector<1x16xi32>,
      %get3A_278 = vector.shape_cast %get3A_277 : vector<1x16xi32> to vector<16xi32>
      %and3A_279 = arith.constant 65535 : i32
      %and3A_280 = vector.broadcast %and3A_279 : i32 to vector<16xi32>
      %and3A_281 = arith.andi %get3A_278, %and3A_280 : vector<16xi32>
      %swap3A_282 = arith.constant 80 : index
      %swap3A_283 = tpu.vector_load %arg9[%swap3A_282] {strides = array<i32>} : memref<128xi32, #tpu.memory_space<vmem>>, vector<16xi32>,
      %swap3A_284 = vector.shape_cast %swap3A_283 : vector<16xi32> to vector<16xi32>
      %swap3A_285 = vector.shape_cast %and3A_281 : vector<16xi32> to vector<16xi32>
      tpu.vector_store %arg9[%swap3A_282], %swap3A_285 {strides = array<i32>} : memref<128xi32, #tpu.memory_space<vmem>>, vector<16xi32>,
      %shift_right_logical3A_286 = arith.constant 16 : i32
      %shift_right_logical3A_287 = vector.broadcast %shift_right_logical3A_286 : i32 to vector<16xi32>
      %shift_right_logical3A_288 = arith.shrui %get3A_278, %shift_right_logical3A_287 : vector<16xi32>
      %swap3A_289 = arith.constant 80 : index
      %swap3A_290 = tpu.vector_load %arg10[%swap3A_289] {strides = array<i32>} : memref<128xi32, #tpu.memory_space<vmem>>, vector<16xi32>,
      %swap3A_291 = vector.shape_cast %swap3A_290 : vector<16xi32> to vector<16xi32>
      %swap3A_292 = vector.shape_cast %shift_right_logical3A_288 : vector<16xi32> to vector<16xi32>
      tpu.vector_store %arg10[%swap3A_289], %swap3A_292 {strides = array<i32>} : memref<128xi32, #tpu.memory_space<vmem>>, vector<16xi32>,
      %get3A_293 = arith.index_cast %add3A_184 : i32 to index
      %get3A_294 = arith.constant 96 : index
      %get3A_295 = tpu.vector_load %arg6[%get3A_293, %get3A_294] {strides = array<i32>} : memref<80x128xi32, #tpu.memory_space<vmem>>, vector<1x16xi32>,
      %get3A_296 = vector.shape_cast %get3A_295 : vector<1x16xi32> to vector<16xi32>
      %and3A_297 = arith.constant 65535 : i32
      %and3A_298 = vector.broadcast %and3A_297 : i32 to vector<16xi32>
      %and3A_299 = arith.andi %get3A_296, %and3A_298 : vector<16xi32>
      %swap3A_300 = arith.constant 96 : index
      %swap3A_301 = tpu.vector_load %arg9[%swap3A_300] {strides = array<i32>} : memref<128xi32, #tpu.memory_space<vmem>>, vector<16xi32>,
      %swap3A_302 = vector.shape_cast %swap3A_301 : vector<16xi32> to vector<16xi32>
      %swap3A_303 = vector.shape_cast %and3A_299 : vector<16xi32> to vector<16xi32>
      tpu.vector_store %arg9[%swap3A_300], %swap3A_303 {strides = array<i32>} : memref<128xi32, #tpu.memory_space<vmem>>, vector<16xi32>,
      %shift_right_logical3A_304 = arith.constant 16 : i32
      %shift_right_logical3A_305 = vector.broadcast %shift_right_logical3A_304 : i32 to vector<16xi32>
      %shift_right_logical3A_306 = arith.shrui %get3A_296, %shift_right_logical3A_305 : vector<16xi32>
      %swap3A_307 = arith.constant 96 : index
      %swap3A_308 = tpu.vector_load %arg10[%swap3A_307] {strides = array<i32>} : memref<128xi32, #tpu.memory_space<vmem>>, vector<16xi32>,
      %swap3A_309 = vector.shape_cast %swap3A_308 : vector<16xi32> to vector<16xi32>
      %swap3A_310 = vector.shape_cast %shift_right_logical3A_306 : vector<16xi32> to vector<16xi32>
      tpu.vector_store %arg10[%swap3A_307], %swap3A_310 {strides = array<i32>} : memref<128xi32, #tpu.memory_space<vmem>>, vector<16xi32>,
      %get3A_311 = arith.index_cast %add3A_184 : i32 to index
      %get3A_312 = arith.constant 112 : index
      %get3A_313 = tpu.vector_load %arg6[%get3A_311, %get3A_312] {strides = array<i32>} : memref<80x128xi32, #tpu.memory_space<vmem>>, vector<1x16xi32>,
      %get3A_314 = vector.shape_cast %get3A_313 : vector<1x16xi32> to vector<16xi32>
      %and3A_315 = arith.constant 65535 : i32
      %and3A_316 = vector.broadcast %and3A_315 : i32 to vector<16xi32>
      %and3A_317 = arith.andi %get3A_314, %and3A_316 : vector<16xi32>
      %swap3A_318 = arith.constant 112 : index
      %swap3A_319 = tpu.vector_load %arg9[%swap3A_318] {strides = array<i32>} : memref<128xi32, #tpu.memory_space<vmem>>, vector<16xi32>,
      %swap3A_320 = vector.shape_cast %swap3A_319 : vector<16xi32> to vector<16xi32>
      %swap3A_321 = vector.shape_cast %and3A_317 : vector<16xi32> to vector<16xi32>
      tpu.vector_store %arg9[%swap3A_318], %swap3A_321 {strides = array<i32>} : memref<128xi32, #tpu.memory_space<vmem>>, vector<16xi32>,
      %shift_right_logical3A_322 = arith.constant 16 : i32
      %shift_right_logical3A_323 = vector.broadcast %shift_right_logical3A_322 : i32 to vector<16xi32>
      %shift_right_logical3A_324 = arith.shrui %get3A_314, %shift_right_logical3A_323 : vector<16xi32>
      %swap3A_325 = arith.constant 112 : index
      %swap3A_326 = tpu.vector_load %arg10[%swap3A_325] {strides = array<i32>} : memref<128xi32, #tpu.memory_space<vmem>>, vector<16xi32>,
      %swap3A_327 = vector.shape_cast %swap3A_326 : vector<16xi32> to vector<16xi32>
      %swap3A_328 = vector.shape_cast %shift_right_logical3A_324 : vector<16xi32> to vector<16xi32>
      tpu.vector_store %arg10[%swap3A_325], %swap3A_328 {strides = array<i32>} : memref<128xi32, #tpu.memory_space<vmem>>, vector<16xi32>,
      %dma_start3A_329 = arith.constant 0 : i32
      %dma_start3A_330 = arith.constant 0 : i32
      %dma_start3A_331 = tpu.memref_slice %arg2[%dma_start3A_329, %dma_start3A_330] : memref<10112x128xf32, #tpu.memory_space<hbm>> -> memref<10112x128xf32, #tpu.memory_space<hbm>>
      tpu.enqueue_indirect_dma source(%dma_start3A_331 : memref<10112x128xf32, #tpu.memory_space<hbm>>) target(%arg12 : memref<128x128xf32, #tpu.memory_space<vmem>>) offsets(%arg9 : memref<128xi32, #tpu.memory_space<vmem>>) semaphore(%arg15 : memref<!tpu.dma_semaphore, #tpu.memory_space<semaphore_mem>>)
      %dma_start3A_332 = arith.constant 0 : i32
      %dma_start3A_333 = arith.constant 0 : i32
      %dma_start3A_334 = tpu.memref_slice %arg13[%dma_start3A_332, %dma_start3A_333] : memref<10112x128xf32, #tpu.memory_space<vmem_shared>> -> memref<10112x128xf32, #tpu.memory_space<vmem_shared>>
      tpu.enqueue_indirect_dma source(%arg11 : memref<128x128xf32, #tpu.memory_space<vmem>>) target(%dma_start3A_334 : memref<10112x128xf32, #tpu.memory_space<vmem_shared>>) offsets(%arg8 : memref<128xi32, #tpu.memory_space<vmem>>) semaphore(%arg16 : memref<!tpu.dma_semaphore, #tpu.memory_space<semaphore_mem>>) {add = true}
      %dma_wait3A_335 = arith.constant 0 : i32
      %dma_wait3A_336 = arith.constant 0 : i32
      %dma_wait3A_337 = tpu.memref_slice %arg2[%dma_wait3A_335, %dma_wait3A_336] : memref<10112x128xf32, #tpu.memory_space<hbm>> -> memref<10112x128xf32, #tpu.memory_space<hbm>>
      tpu.wait_indirect_dma semaphore(%arg15 : memref<!tpu.dma_semaphore, #tpu.memory_space<semaphore_mem>>) src(%dma_wait3A_337 : memref<10112x128xf32, #tpu.memory_space<hbm>>) dst(%arg12 : memref<128x128xf32, #tpu.memory_space<vmem>>)
      %lt3A = arith.constant 39 : i32
      %lt3A_338 = arith.cmpi slt, %add3A_175, %lt3A : i32
      %convert_element_type3A_339 = arith.extui %lt3A_338 : i1 to i32
      %cond3A_340 = arith.constant 0 : i32
      %cond3A_341 = arith.cmpi ne, %convert_element_type3A_339, %cond3A_340 : i32
      scf.if %cond3A_341 {
        %dma_wait3A_345 = arith.constant 0 : i32
        %dma_wait3A_346 = arith.constant 0 : i32
        %dma_wait3A_347 = tpu.memref_slice %arg13[%dma_wait3A_345, %dma_wait3A_346] : memref<10112x128xf32, #tpu.memory_space<vmem_shared>> -> memref<10112x128xf32, #tpu.memory_space<vmem_shared>>
        tpu.wait_indirect_dma semaphore(%arg16 : memref<!tpu.dma_semaphore, #tpu.memory_space<semaphore_mem>>) src(%arg11 : memref<128x128xf32, #tpu.memory_space<vmem>>) dst(%dma_wait3A_347 : memref<10112x128xf32, #tpu.memory_space<vmem_shared>>)
        %add3A_348 = arith.constant 2 : i32
        %add3A_349 = arith.addi %mul3A_177, %add3A_348 : i32
        %get3A_350 = arith.index_cast %add3A_349 : i32 to index
        %get3A_351 = arith.constant 0 : index
        %get3A_352 = tpu.vector_load %arg6[%get3A_350, %get3A_351] {strides = array<i32>} : memref<80x128xi32, #tpu.memory_space<vmem>>, vector<1x16xi32>,
        %get3A_353 = vector.shape_cast %get3A_352 : vector<1x16xi32> to vector<16xi32>
        %and3A_354 = arith.constant 65535 : i32
        %and3A_355 = vector.broadcast %and3A_354 : i32 to vector<16xi32>
        %and3A_356 = arith.andi %get3A_353, %and3A_355 : vector<16xi32>
        %swap3A_357 = arith.constant 0 : index
        %swap3A_358 = tpu.vector_load %arg7[%swap3A_357] {strides = array<i32>} : memref<128xi32, #tpu.memory_space<vmem>>, vector<16xi32>,
        %swap3A_359 = vector.shape_cast %swap3A_358 : vector<16xi32> to vector<16xi32>
        %swap3A_360 = vector.shape_cast %and3A_356 : vector<16xi32> to vector<16xi32>
        tpu.vector_store %arg7[%swap3A_357], %swap3A_360 {strides = array<i32>} : memref<128xi32, #tpu.memory_space<vmem>>, vector<16xi32>,
        %shift_right_logical3A_361 = arith.constant 16 : i32
        %shift_right_logical3A_362 = vector.broadcast %shift_right_logical3A_361 : i32 to vector<16xi32>
        %shift_right_logical3A_363 = arith.shrui %get3A_353, %shift_right_logical3A_362 : vector<16xi32>
        %swap3A_364 = arith.constant 0 : index
        %swap3A_365 = tpu.vector_load %arg8[%swap3A_364] {strides = array<i32>} : memref<128xi32, #tpu.memory_space<vmem>>, vector<16xi32>,
        %swap3A_366 = vector.shape_cast %swap3A_365 : vector<16xi32> to vector<16xi32>
        %swap3A_367 = vector.shape_cast %shift_right_logical3A_363 : vector<16xi32> to vector<16xi32>
        tpu.vector_store %arg8[%swap3A_364], %swap3A_367 {strides = array<i32>} : memref<128xi32, #tpu.memory_space<vmem>>, vector<16xi32>,
        %get3A_368 = arith.index_cast %add3A_349 : i32 to index
        %get3A_369 = arith.constant 16 : index
        %get3A_370 = tpu.vector_load %arg6[%get3A_368, %get3A_369] {strides = array<i32>} : memref<80x128xi32, #tpu.memory_space<vmem>>, vector<1x16xi32>,
        %get3A_371 = vector.shape_cast %get3A_370 : vector<1x16xi32> to vector<16xi32>
        %and3A_372 = arith.constant 65535 : i32
        %and3A_373 = vector.broadcast %and3A_372 : i32 to vector<16xi32>
        %and3A_374 = arith.andi %get3A_371, %and3A_373 : vector<16xi32>
        %swap3A_375 = arith.constant 16 : index
        %swap3A_376 = tpu.vector_load %arg7[%swap3A_375] {strides = array<i32>} : memref<128xi32, #tpu.memory_space<vmem>>, vector<16xi32>,
        %swap3A_377 = vector.shape_cast %swap3A_376 : vector<16xi32> to vector<16xi32>
        %swap3A_378 = vector.shape_cast %and3A_374 : vector<16xi32> to vector<16xi32>
        tpu.vector_store %arg7[%swap3A_375], %swap3A_378 {strides = array<i32>} : memref<128xi32, #tpu.memory_space<vmem>>, vector<16xi32>,
        %shift_right_logical3A_379 = arith.constant 16 : i32
        %shift_right_logical3A_380 = vector.broadcast %shift_right_logical3A_379 : i32 to vector<16xi32>
        %shift_right_logical3A_381 = arith.shrui %get3A_371, %shift_right_logical3A_380 : vector<16xi32>
        %swap3A_382 = arith.constant 16 : index
        %swap3A_383 = tpu.vector_load %arg8[%swap3A_382] {strides = array<i32>} : memref<128xi32, #tpu.memory_space<vmem>>, vector<16xi32>,
        %swap3A_384 = vector.shape_cast %swap3A_383 : vector<16xi32> to vector<16xi32>
        %swap3A_385 = vector.shape_cast %shift_right_logical3A_381 : vector<16xi32> to vector<16xi32>
        tpu.vector_store %arg8[%swap3A_382], %swap3A_385 {strides = array<i32>} : memref<128xi32, #tpu.memory_space<vmem>>, vector<16xi32>,
        %get3A_386 = arith.index_cast %add3A_349 : i32 to index
        %get3A_387 = arith.constant 32 : index
        %get3A_388 = tpu.vector_load %arg6[%get3A_386, %get3A_387] {strides = array<i32>} : memref<80x128xi32, #tpu.memory_space<vmem>>, vector<1x16xi32>,
        %get3A_389 = vector.shape_cast %get3A_388 : vector<1x16xi32> to vector<16xi32>
        %and3A_390 = arith.constant 65535 : i32
        %and3A_391 = vector.broadcast %and3A_390 : i32 to vector<16xi32>
        %and3A_392 = arith.andi %get3A_389, %and3A_391 : vector<16xi32>
        %swap3A_393 = arith.constant 32 : index
        %swap3A_394 = tpu.vector_load %arg7[%swap3A_393] {strides = array<i32>} : memref<128xi32, #tpu.memory_space<vmem>>, vector<16xi32>,
        %swap3A_395 = vector.shape_cast %swap3A_394 : vector<16xi32> to vector<16xi32>
        %swap3A_396 = vector.shape_cast %and3A_392 : vector<16xi32> to vector<16xi32>
        tpu.vector_store %arg7[%swap3A_393], %swap3A_396 {strides = array<i32>} : memref<128xi32, #tpu.memory_space<vmem>>, vector<16xi32>,
        %shift_right_logical3A_397 = arith.constant 16 : i32
        %shift_right_logical3A_398 = vector.broadcast %shift_right_logical3A_397 : i32 to vector<16xi32>
        %shift_right_logical3A_399 = arith.shrui %get3A_389, %shift_right_logical3A_398 : vector<16xi32>
        %swap3A_400 = arith.constant 32 : index
        %swap3A_401 = tpu.vector_load %arg8[%swap3A_400] {strides = array<i32>} : memref<128xi32, #tpu.memory_space<vmem>>, vector<16xi32>,
        %swap3A_402 = vector.shape_cast %swap3A_401 : vector<16xi32> to vector<16xi32>
        %swap3A_403 = vector.shape_cast %shift_right_logical3A_399 : vector<16xi32> to vector<16xi32>
        tpu.vector_store %arg8[%swap3A_400], %swap3A_403 {strides = array<i32>} : memref<128xi32, #tpu.memory_space<vmem>>, vector<16xi32>,
        %get3A_404 = arith.index_cast %add3A_349 : i32 to index
        %get3A_405 = arith.constant 48 : index
        %get3A_406 = tpu.vector_load %arg6[%get3A_404, %get3A_405] {strides = array<i32>} : memref<80x128xi32, #tpu.memory_space<vmem>>, vector<1x16xi32>,
        %get3A_407 = vector.shape_cast %get3A_406 : vector<1x16xi32> to vector<16xi32>
        %and3A_408 = arith.constant 65535 : i32
        %and3A_409 = vector.broadcast %and3A_408 : i32 to vector<16xi32>
        %and3A_410 = arith.andi %get3A_407, %and3A_409 : vector<16xi32>
        %swap3A_411 = arith.constant 48 : index
        %swap3A_412 = tpu.vector_load %arg7[%swap3A_411] {strides = array<i32>} : memref<128xi32, #tpu.memory_space<vmem>>, vector<16xi32>,
        %swap3A_413 = vector.shape_cast %swap3A_412 : vector<16xi32> to vector<16xi32>
        %swap3A_414 = vector.shape_cast %and3A_410 : vector<16xi32> to vector<16xi32>
        tpu.vector_store %arg7[%swap3A_411], %swap3A_414 {strides = array<i32>} : memref<128xi32, #tpu.memory_space<vmem>>, vector<16xi32>,
        %shift_right_logical3A_415 = arith.constant 16 : i32
        %shift_right_logical3A_416 = vector.broadcast %shift_right_logical3A_415 : i32 to vector<16xi32>
        %shift_right_logical3A_417 = arith.shrui %get3A_407, %shift_right_logical3A_416 : vector<16xi32>
        %swap3A_418 = arith.constant 48 : index
        %swap3A_419 = tpu.vector_load %arg8[%swap3A_418] {strides = array<i32>} : memref<128xi32, #tpu.memory_space<vmem>>, vector<16xi32>,
        %swap3A_420 = vector.shape_cast %swap3A_419 : vector<16xi32> to vector<16xi32>
        %swap3A_421 = vector.shape_cast %shift_right_logical3A_417 : vector<16xi32> to vector<16xi32>
        tpu.vector_store %arg8[%swap3A_418], %swap3A_421 {strides = array<i32>} : memref<128xi32, #tpu.memory_space<vmem>>, vector<16xi32>,
        %get3A_422 = arith.index_cast %add3A_349 : i32 to index
        %get3A_423 = arith.constant 64 : index
        %get3A_424 = tpu.vector_load %arg6[%get3A_422, %get3A_423] {strides = array<i32>} : memref<80x128xi32, #tpu.memory_space<vmem>>, vector<1x16xi32>,
        %get3A_425 = vector.shape_cast %get3A_424 : vector<1x16xi32> to vector<16xi32>
        %and3A_426 = arith.constant 65535 : i32
        %and3A_427 = vector.broadcast %and3A_426 : i32 to vector<16xi32>
        %and3A_428 = arith.andi %get3A_425, %and3A_427 : vector<16xi32>
        %swap3A_429 = arith.constant 64 : index
        %swap3A_430 = tpu.vector_load %arg7[%swap3A_429] {strides = array<i32>} : memref<128xi32, #tpu.memory_space<vmem>>, vector<16xi32>,
        %swap3A_431 = vector.shape_cast %swap3A_430 : vector<16xi32> to vector<16xi32>
        %swap3A_432 = vector.shape_cast %and3A_428 : vector<16xi32> to vector<16xi32>
        tpu.vector_store %arg7[%swap3A_429], %swap3A_432 {strides = array<i32>} : memref<128xi32, #tpu.memory_space<vmem>>, vector<16xi32>,
        %shift_right_logical3A_433 = arith.constant 16 : i32
        %shift_right_logical3A_434 = vector.broadcast %shift_right_logical3A_433 : i32 to vector<16xi32>
        %shift_right_logical3A_435 = arith.shrui %get3A_425, %shift_right_logical3A_434 : vector<16xi32>
        %swap3A_436 = arith.constant 64 : index
        %swap3A_437 = tpu.vector_load %arg8[%swap3A_436] {strides = array<i32>} : memref<128xi32, #tpu.memory_space<vmem>>, vector<16xi32>,
        %swap3A_438 = vector.shape_cast %swap3A_437 : vector<16xi32> to vector<16xi32>
        %swap3A_439 = vector.shape_cast %shift_right_logical3A_435 : vector<16xi32> to vector<16xi32>
        tpu.vector_store %arg8[%swap3A_436], %swap3A_439 {strides = array<i32>} : memref<128xi32, #tpu.memory_space<vmem>>, vector<16xi32>,
        %get3A_440 = arith.index_cast %add3A_349 : i32 to index
        %get3A_441 = arith.constant 80 : index
        %get3A_442 = tpu.vector_load %arg6[%get3A_440, %get3A_441] {strides = array<i32>} : memref<80x128xi32, #tpu.memory_space<vmem>>, vector<1x16xi32>,
        %get3A_443 = vector.shape_cast %get3A_442 : vector<1x16xi32> to vector<16xi32>
        %and3A_444 = arith.constant 65535 : i32
        %and3A_445 = vector.broadcast %and3A_444 : i32 to vector<16xi32>
        %and3A_446 = arith.andi %get3A_443, %and3A_445 : vector<16xi32>
        %swap3A_447 = arith.constant 80 : index
        %swap3A_448 = tpu.vector_load %arg7[%swap3A_447] {strides = array<i32>} : memref<128xi32, #tpu.memory_space<vmem>>, vector<16xi32>,
        %swap3A_449 = vector.shape_cast %swap3A_448 : vector<16xi32> to vector<16xi32>
        %swap3A_450 = vector.shape_cast %and3A_446 : vector<16xi32> to vector<16xi32>
        tpu.vector_store %arg7[%swap3A_447], %swap3A_450 {strides = array<i32>} : memref<128xi32, #tpu.memory_space<vmem>>, vector<16xi32>,
        %shift_right_logical3A_451 = arith.constant 16 : i32
        %shift_right_logical3A_452 = vector.broadcast %shift_right_logical3A_451 : i32 to vector<16xi32>
        %shift_right_logical3A_453 = arith.shrui %get3A_443, %shift_right_logical3A_452 : vector<16xi32>
        %swap3A_454 = arith.constant 80 : index
        %swap3A_455 = tpu.vector_load %arg8[%swap3A_454] {strides = array<i32>} : memref<128xi32, #tpu.memory_space<vmem>>, vector<16xi32>,
        %swap3A_456 = vector.shape_cast %swap3A_455 : vector<16xi32> to vector<16xi32>
        %swap3A_457 = vector.shape_cast %shift_right_logical3A_453 : vector<16xi32> to vector<16xi32>
        tpu.vector_store %arg8[%swap3A_454], %swap3A_457 {strides = array<i32>} : memref<128xi32, #tpu.memory_space<vmem>>, vector<16xi32>,
        %get3A_458 = arith.index_cast %add3A_349 : i32 to index
        %get3A_459 = arith.constant 96 : index
        %get3A_460 = tpu.vector_load %arg6[%get3A_458, %get3A_459] {strides = array<i32>} : memref<80x128xi32, #tpu.memory_space<vmem>>, vector<1x16xi32>,
        %get3A_461 = vector.shape_cast %get3A_460 : vector<1x16xi32> to vector<16xi32>
        %and3A_462 = arith.constant 65535 : i32
        %and3A_463 = vector.broadcast %and3A_462 : i32 to vector<16xi32>
        %and3A_464 = arith.andi %get3A_461, %and3A_463 : vector<16xi32>
        %swap3A_465 = arith.constant 96 : index
        %swap3A_466 = tpu.vector_load %arg7[%swap3A_465] {strides = array<i32>} : memref<128xi32, #tpu.memory_space<vmem>>, vector<16xi32>,
        %swap3A_467 = vector.shape_cast %swap3A_466 : vector<16xi32> to vector<16xi32>
        %swap3A_468 = vector.shape_cast %and3A_464 : vector<16xi32> to vector<16xi32>
        tpu.vector_store %arg7[%swap3A_465], %swap3A_468 {strides = array<i32>} : memref<128xi32, #tpu.memory_space<vmem>>, vector<16xi32>,
        %shift_right_logical3A_469 = arith.constant 16 : i32
        %shift_right_logical3A_470 = vector.broadcast %shift_right_logical3A_469 : i32 to vector<16xi32>
        %shift_right_logical3A_471 = arith.shrui %get3A_461, %shift_right_logical3A_470 : vector<16xi32>
        %swap3A_472 = arith.constant 96 : index
        %swap3A_473 = tpu.vector_load %arg8[%swap3A_472] {strides = array<i32>} : memref<128xi32, #tpu.memory_space<vmem>>, vector<16xi32>,
        %swap3A_474 = vector.shape_cast %swap3A_473 : vector<16xi32> to vector<16xi32>
        %swap3A_475 = vector.shape_cast %shift_right_logical3A_471 : vector<16xi32> to vector<16xi32>
        tpu.vector_store %arg8[%swap3A_472], %swap3A_475 {strides = array<i32>} : memref<128xi32, #tpu.memory_space<vmem>>, vector<16xi32>,
        %get3A_476 = arith.index_cast %add3A_349 : i32 to index
        %get3A_477 = arith.constant 112 : index
        %get3A_478 = tpu.vector_load %arg6[%get3A_476, %get3A_477] {strides = array<i32>} : memref<80x128xi32, #tpu.memory_space<vmem>>, vector<1x16xi32>,
        %get3A_479 = vector.shape_cast %get3A_478 : vector<1x16xi32> to vector<16xi32>
        %and3A_480 = arith.constant 65535 : i32
        %and3A_481 = vector.broadcast %and3A_480 : i32 to vector<16xi32>
        %and3A_482 = arith.andi %get3A_479, %and3A_481 : vector<16xi32>
        %swap3A_483 = arith.constant 112 : index
        %swap3A_484 = tpu.vector_load %arg7[%swap3A_483] {strides = array<i32>} : memref<128xi32, #tpu.memory_space<vmem>>, vector<16xi32>,
        %swap3A_485 = vector.shape_cast %swap3A_484 : vector<16xi32> to vector<16xi32>
        %swap3A_486 = vector.shape_cast %and3A_482 : vector<16xi32> to vector<16xi32>
        tpu.vector_store %arg7[%swap3A_483], %swap3A_486 {strides = array<i32>} : memref<128xi32, #tpu.memory_space<vmem>>, vector<16xi32>,
        %shift_right_logical3A_487 = arith.constant 16 : i32
        %shift_right_logical3A_488 = vector.broadcast %shift_right_logical3A_487 : i32 to vector<16xi32>
        %shift_right_logical3A_489 = arith.shrui %get3A_479, %shift_right_logical3A_488 : vector<16xi32>
        %swap3A_490 = arith.constant 112 : index
        %swap3A_491 = tpu.vector_load %arg8[%swap3A_490] {strides = array<i32>} : memref<128xi32, #tpu.memory_space<vmem>>, vector<16xi32>,
        %swap3A_492 = vector.shape_cast %swap3A_491 : vector<16xi32> to vector<16xi32>
        %swap3A_493 = vector.shape_cast %shift_right_logical3A_489 : vector<16xi32> to vector<16xi32>
        tpu.vector_store %arg8[%swap3A_490], %swap3A_493 {strides = array<i32>} : memref<128xi32, #tpu.memory_space<vmem>>, vector<16xi32>,
        %dma_start3A_494 = arith.constant 0 : i32
        %dma_start3A_495 = arith.constant 0 : i32
        %dma_start3A_496 = tpu.memref_slice %arg2[%dma_start3A_494, %dma_start3A_495] : memref<10112x128xf32, #tpu.memory_space<hbm>> -> memref<10112x128xf32, #tpu.memory_space<hbm>>
        tpu.enqueue_indirect_dma source(%dma_start3A_496 : memref<10112x128xf32, #tpu.memory_space<hbm>>) target(%arg11 : memref<128x128xf32, #tpu.memory_space<vmem>>) offsets(%arg7 : memref<128xi32, #tpu.memory_space<vmem>>) semaphore(%arg14 : memref<!tpu.dma_semaphore, #tpu.memory_space<semaphore_mem>>)
      } else {
      }
      %dma_start3A_342 = arith.constant 0 : i32
      %dma_start3A_343 = arith.constant 0 : i32
      %dma_start3A_344 = tpu.memref_slice %arg13[%dma_start3A_342, %dma_start3A_343] : memref<10112x128xf32, #tpu.memory_space<vmem_shared>> -> memref<10112x128xf32, #tpu.memory_space<vmem_shared>>
      tpu.enqueue_indirect_dma source(%arg12 : memref<128x128xf32, #tpu.memory_space<vmem>>) target(%dma_start3A_344 : memref<10112x128xf32, #tpu.memory_space<vmem_shared>>) offsets(%arg10 : memref<128xi32, #tpu.memory_space<vmem>>) semaphore(%arg17 : memref<!tpu.dma_semaphore, #tpu.memory_space<semaphore_mem>>) {add = true}
    }
    %scan3A_160 = arith.constant 40 : i32
    %dma_wait3A = arith.constant 0 : i32
    %dma_wait3A_161 = arith.constant 0 : i32
    %dma_wait3A_162 = tpu.memref_slice %arg13[%dma_wait3A, %dma_wait3A_161] : memref<10112x128xf32, #tpu.memory_space<vmem_shared>> -> memref<10112x128xf32, #tpu.memory_space<vmem_shared>>
    tpu.wait_indirect_dma semaphore(%arg16 : memref<!tpu.dma_semaphore, #tpu.memory_space<semaphore_mem>>) src(%arg11 : memref<128x128xf32, #tpu.memory_space<vmem>>) dst(%dma_wait3A_162 : memref<10112x128xf32, #tpu.memory_space<vmem_shared>>)
    %dma_wait3A_163 = arith.constant 0 : i32
    %dma_wait3A_164 = arith.constant 0 : i32
    %dma_wait3A_165 = tpu.memref_slice %arg13[%dma_wait3A_163, %dma_wait3A_164] : memref<10112x128xf32, #tpu.memory_space<vmem_shared>> -> memref<10112x128xf32, #tpu.memory_space<vmem_shared>>
    tpu.wait_indirect_dma semaphore(%arg17 : memref<!tpu.dma_semaphore, #tpu.memory_space<semaphore_mem>>) src(%arg12 : memref<128x128xf32, #tpu.memory_space<vmem>>) dst(%dma_wait3A_165 : memref<10112x128xf32, #tpu.memory_space<vmem_shared>>)
    %barrier3A_166 = arith.constant 0 : index
    tpu.barrier barrier_id(%barrier3A_166)
    %mul3A_167 = arith.constant 632 : i32
    %mul3A_168 = arith.muli %arg1, %mul3A_167 : i32
    %mul3A_169 = arith.constant 632 : i32
    %mul3A_170 = arith.muli %arg1, %mul3A_169 : i32
    "tpu.region"() ({
      %run_scoped3A = tpu.sem_alloc : memref<!tpu.dma_semaphore, #tpu.memory_space<semaphore_mem>>
      %dma_start3A_171 = arith.constant 0 : i32
      %dma_start3A_172 = tpu.memref_slice %arg5[%arg0, %mul3A_170, %dma_start3A_171] : memref<2x10112x128xf32, #tpu.memory_space<hbm>> -> memref<1x632x128xf32, #tpu.memory_space<hbm>>
      %dma_start3A_173 = tpu.memref_squeeze %dma_start3A_172 : memref<1x632x128xf32, #tpu.memory_space<hbm>> -> memref<632x128xf32, #tpu.memory_space<hbm>>
      %dma_start3A_174 = arith.constant 0 : i32
      %dma_start3A_175 = tpu.memref_slice %arg13[%mul3A_168, %dma_start3A_174] : memref<10112x128xf32, #tpu.memory_space<vmem_shared>> -> memref<632x128xf32, #tpu.memory_space<vmem_shared>>
      tpu.enqueue_dma source(%dma_start3A_175 : memref<632x128xf32, #tpu.memory_space<vmem_shared>>) target(%dma_start3A_173 : memref<632x128xf32, #tpu.memory_space<hbm>>) target_semaphore(%run_scoped3A : memref<!tpu.dma_semaphore, #tpu.memory_space<semaphore_mem>>)
      %dma_wait3A_176 = arith.constant 0 : i32
      %dma_wait3A_177 = tpu.memref_slice %arg5[%arg0, %mul3A_170, %dma_wait3A_176] : memref<2x10112x128xf32, #tpu.memory_space<hbm>> -> memref<1x632x128xf32, #tpu.memory_space<hbm>>
      %dma_wait3A_178 = tpu.memref_squeeze %dma_wait3A_177 : memref<1x632x128xf32, #tpu.memory_space<hbm>> -> memref<632x128xf32, #tpu.memory_space<hbm>>
      %dma_wait3A_179 = arith.constant 0 : i32
      %dma_wait3A_180 = tpu.memref_slice %arg13[%mul3A_168, %dma_wait3A_179] : memref<10112x128xf32, #tpu.memory_space<vmem_shared>> -> memref<632x128xf32, #tpu.memory_space<vmem_shared>>
      tpu.wait_dma2 semaphore(%run_scoped3A : memref<!tpu.dma_semaphore, #tpu.memory_space<semaphore_mem>>) src(%dma_wait3A_180 : memref<632x128xf32, #tpu.memory_space<vmem_shared>>) dst(%dma_wait3A_178 : memref<632x128xf32, #tpu.memory_space<hbm>>)
      tpu.yield
    }) : () -> ()
    return
  }
}

module attributes {stable_mosaic.version = 14 : i64} {
  func.func @_prep_body(%arg0: i32, %arg1: memref<32x128x1xf32, #tpu.memory_space<vmem>>, %arg2: memref<128x128xf32, #tpu.memory_space<vmem>>, %arg3: memref<128x1xf32, #tpu.memory_space<vmem>>, %arg4: memref<128x128xf32, #tpu.memory_space<vmem>>) attributes {dimension_semantics = [#tpu.dimension_semantics<arbitrary>], iteration_bounds = array<i64: 79>, scalar_prefetch = 0 : i64, scratch_operands = 0 : i64, tpu.core_type = #tpu.core_type<tc>, window_params = [{transform_indices = @transform_0, window_bounds = array<i64: 32, 128, 1>}, {transform_indices = @transform_1, window_bounds = array<i64: 128, 128>}, {transform_indices = @transform_2, window_bounds = array<i64: 128, 1>}, {transform_indices = @transform_3, window_bounds = array<i64: 128, 128>}]} {
    %get3A = arith.constant 0 : index
    %get3A_0 = arith.constant 0 : index
    %get3A_1 = arith.constant 0 : index
    %get3A_2 = vector.load %arg1[%get3A, %get3A_0, %get3A_1] : memref<32x128x1xf32, #tpu.memory_space<vmem>>, vector<32x128x1xf32>
    %reduce_sum3A = arith.constant dense<0.000000e+00> : vector<128x1xf32>
    %reduce_sum3A_3 = vector.multi_reduction <add>, %get3A_2, %reduce_sum3A [0] : vector<32x128x1xf32> to vector<128x1xf32>
    %add3A = arith.constant 1.000000e+00 : f32
    %add3A_4 = vector.broadcast %add3A : f32 to vector<128x1xf32>
    %add3A_5 = arith.addf %add3A_4, %reduce_sum3A_3 : vector<128x1xf32>
    %rsqrt3A = math.rsqrt %add3A_5 : vector<128x1xf32>
    %swap3A = arith.constant 0 : index
    %swap3A_6 = arith.constant 0 : index
    %swap3A_7 = vector.load %arg3[%swap3A, %swap3A_6] : memref<128x1xf32, #tpu.memory_space<vmem>>, vector<128x1xf32>
    tpu.vector_store %arg3[%swap3A, %swap3A_6], %rsqrt3A {strides = array<i32>} : memref<128x1xf32, #tpu.memory_space<vmem>>, vector<128x1xf32>,
    %get3A_8 = arith.constant 0 : index
    %get3A_9 = arith.constant 0 : index
    %get3A_10 = vector.load %arg2[%get3A_8, %get3A_9] : memref<128x128xf32, #tpu.memory_space<vmem>>, vector<128x128xf32>
    %mul3A = vector.broadcast %rsqrt3A : vector<128x1xf32> to vector<128x128xf32>
    %mul3A_11 = arith.mulf %get3A_10, %mul3A : vector<128x128xf32>
    %swap3A_12 = arith.constant 0 : index
    %swap3A_13 = arith.constant 0 : index
    %swap3A_14 = vector.load %arg4[%swap3A_12, %swap3A_13] : memref<128x128xf32, #tpu.memory_space<vmem>>, vector<128x128xf32>
    tpu.vector_store %arg4[%swap3A_12, %swap3A_13], %mul3A_11 {strides = array<i32>} : memref<128x128xf32, #tpu.memory_space<vmem>>, vector<128x128xf32>,
    return
  }
  func.func @transform_0(%arg0: i32) -> (i32, i32, i32) {
    %c0_i32 = arith.constant 0 : i32
    %c0_i32_0 = arith.constant 0 : i32
    %c0_i32_1 = arith.constant 0 : i32
    return %c0_i32, %arg0, %c0_i32_0 : i32, i32, i32
  }
  func.func @transform_1(%arg0: i32) -> (i32, i32) {
    %c0_i32 = arith.constant 0 : i32
    %c0_i32_0 = arith.constant 0 : i32
    return %arg0, %c0_i32 : i32, i32
  }
  func.func @transform_2(%arg0: i32) -> (i32, i32) {
    %c0_i32 = arith.constant 0 : i32
    %c0_i32_0 = arith.constant 0 : i32
    return %arg0, %c0_i32 : i32, i32
  }
  func.func @transform_3(%arg0: i32) -> (i32, i32) {
    %c0_i32 = arith.constant 0 : i32
    %c0_i32_0 = arith.constant 0 : i32
    return %arg0, %c0_i32 : i32, i32
  }
}

module attributes {stable_mosaic.version = 14 : i64} {
  func.func @_combine1_body(%arg0: i32, %arg1: memref<2x128x128xf32, #tpu.memory_space<vmem>>, %arg2: memref<128x128xf32, #tpu.memory_space<vmem>>, %arg3: memref<128x1xf32, #tpu.memory_space<vmem>>, %arg4: memref<128x128xf32, #tpu.memory_space<vmem>>, %arg5: memref<1x128xf32, #tpu.memory_space<vmem>>, %arg6: memref<128x128xf32, #tpu.memory_space<vmem>>, %arg7: memref<128x128xf32, #tpu.memory_space<vmem>>) attributes {dimension_semantics = [#tpu.dimension_semantics<arbitrary>], iteration_bounds = array<i64: 79>, scalar_prefetch = 0 : i64, scratch_operands = 0 : i64, tpu.core_type = #tpu.core_type<tc>, window_params = [{transform_indices = @transform_0, window_bounds = array<i64: 2, 128, 128>}, {transform_indices = @transform_1, window_bounds = array<i64: 128, 128>}, {transform_indices = @transform_2, window_bounds = array<i64: 128, 1>}, {pipeline_mode = #tpu.pipeline_mode<synchronous>, transform_indices = @transform_3, window_bounds = array<i64: 128, 128>}, {pipeline_mode = #tpu.pipeline_mode<synchronous>, transform_indices = @transform_4, window_bounds = array<i64: 1, 128>}, {transform_indices = @transform_5, window_bounds = array<i64: 128, 128>}, {transform_indices = @transform_6, window_bounds = array<i64: 128, 128>}]} {
    %get3A = arith.constant 0 : index
    %get3A_0 = arith.constant 0 : index
    %get3A_1 = vector.load %arg3[%get3A, %get3A_0] : memref<128x1xf32, #tpu.memory_space<vmem>>, vector<128x1xf32>
    %get3A_2 = arith.constant 0 : index
    %get3A_3 = arith.constant 0 : index
    %get3A_4 = arith.constant 0 : index
    %get3A_5 = vector.load %arg1[%get3A_2, %get3A_3, %get3A_4] : memref<2x128x128xf32, #tpu.memory_space<vmem>>, vector<1x128x128xf32>
    %get3A_6 = vector.shape_cast %get3A_5 : vector<1x128x128xf32> to vector<128x128xf32>
    %get3A_7 = arith.constant 1 : index
    %get3A_8 = arith.constant 0 : index
    %get3A_9 = arith.constant 0 : index
    %get3A_10 = vector.load %arg1[%get3A_7, %get3A_8, %get3A_9] : memref<2x128x128xf32, #tpu.memory_space<vmem>>, vector<1x128x128xf32>
    %get3A_11 = vector.shape_cast %get3A_10 : vector<1x128x128xf32> to vector<128x128xf32>
    %add3A = arith.addf %get3A_6, %get3A_11 : vector<128x128xf32>
    %mul3A = vector.broadcast %get3A_1 : vector<128x1xf32> to vector<128x128xf32>
    %mul3A_12 = arith.mulf %mul3A, %add3A : vector<128x128xf32>
    %mul3A_13 = arith.mulf %get3A_1, %get3A_1 : vector<128x1xf32>
    %get3A_14 = arith.constant 0 : index
    %get3A_15 = arith.constant 0 : index
    %get3A_16 = vector.load %arg2[%get3A_14, %get3A_15] : memref<128x128xf32, #tpu.memory_space<vmem>>, vector<128x128xf32>
    %mul3A_17 = vector.broadcast %mul3A_13 : vector<128x1xf32> to vector<128x128xf32>
    %mul3A_18 = arith.mulf %mul3A_17, %get3A_16 : vector<128x128xf32>
    %add3A_19 = arith.addf %mul3A_12, %mul3A_18 : vector<128x128xf32>
    %get3A_20 = arith.constant 0 : index
    %get3A_21 = arith.constant 0 : index
    %get3A_22 = vector.load %arg4[%get3A_20, %get3A_21] : memref<128x128xf32, #tpu.memory_space<vmem>>, vector<128x128xf32>
    %dot_general3A = arith.constant dense<0.000000e+00> : vector<128x128xf32>
    %dot_general3A_23 = tpu.matmul %add3A_19, %get3A_22, %dot_general3A {dimension_numbers = #tpu.dot_dimension_numbers<[1], [0], [0], [1], [0, 0, 1, 1], [], []>, transpose_lhs_hint = false} : vector<128x128xf32>, vector<128x128xf32>, vector<128x128xf32> -> vector<128x128xf32>
    %get3A_24 = arith.constant 0 : index
    %get3A_25 = arith.constant 0 : index
    %get3A_26 = vector.load %arg5[%get3A_24, %get3A_25] : memref<1x128xf32, #tpu.memory_space<vmem>>, vector<1x128xf32>
    %add3A_27 = vector.broadcast %get3A_26 : vector<1x128xf32> to vector<128x128xf32>
    %add3A_28 = arith.addf %dot_general3A_23, %add3A_27 : vector<128x128xf32>
    %max3A = arith.constant 0.000000e+00 : f32
    %max3A_29 = vector.broadcast %max3A : f32 to vector<128x128xf32>
    %max3A_30 = arith.maximumf %add3A_28, %max3A_29 : vector<128x128xf32>
    %swap3A = arith.constant 0 : index
    %swap3A_31 = arith.constant 0 : index
    %swap3A_32 = vector.load %arg6[%swap3A, %swap3A_31] : memref<128x128xf32, #tpu.memory_space<vmem>>, vector<128x128xf32>
    tpu.vector_store %arg6[%swap3A, %swap3A_31], %max3A_30 {strides = array<i32>} : memref<128x128xf32, #tpu.memory_space<vmem>>, vector<128x128xf32>,
    %mul3A_33 = vector.broadcast %get3A_1 : vector<128x1xf32> to vector<128x128xf32>
    %mul3A_34 = arith.mulf %mul3A_33, %max3A_30 : vector<128x128xf32>
    %swap3A_35 = arith.constant 0 : index
    %swap3A_36 = arith.constant 0 : index
    %swap3A_37 = vector.load %arg7[%swap3A_35, %swap3A_36] : memref<128x128xf32, #tpu.memory_space<vmem>>, vector<128x128xf32>
    tpu.vector_store %arg7[%swap3A_35, %swap3A_36], %mul3A_34 {strides = array<i32>} : memref<128x128xf32, #tpu.memory_space<vmem>>, vector<128x128xf32>,
    return
  }
  func.func @transform_0(%arg0: i32) -> (i32, i32, i32) {
    %c0_i32 = arith.constant 0 : i32
    %c0_i32_0 = arith.constant 0 : i32
    %c0_i32_1 = arith.constant 0 : i32
    return %c0_i32, %arg0, %c0_i32_0 : i32, i32, i32
  }
  func.func @transform_1(%arg0: i32) -> (i32, i32) {
    %c0_i32 = arith.constant 0 : i32
    %c0_i32_0 = arith.constant 0 : i32
    return %arg0, %c0_i32 : i32, i32
  }
  func.func @transform_2(%arg0: i32) -> (i32, i32) {
    %c0_i32 = arith.constant 0 : i32
    %c0_i32_0 = arith.constant 0 : i32
    return %arg0, %c0_i32 : i32, i32
  }
  func.func @transform_3(%arg0: i32) -> (i32, i32) {
    %c0_i32 = arith.constant 0 : i32
    %c0_i32_0 = arith.constant 0 : i32
    %c0_i32_1 = arith.constant 0 : i32
    return %c0_i32, %c0_i32_0 : i32, i32
  }
  func.func @transform_4(%arg0: i32) -> (i32, i32) {
    %c0_i32 = arith.constant 0 : i32
    %c0_i32_0 = arith.constant 0 : i32
    %c0_i32_1 = arith.constant 0 : i32
    return %c0_i32, %c0_i32_0 : i32, i32
  }
  func.func @transform_5(%arg0: i32) -> (i32, i32) {
    %c0_i32 = arith.constant 0 : i32
    %c0_i32_0 = arith.constant 0 : i32
    return %arg0, %c0_i32 : i32, i32
  }
  func.func @transform_6(%arg0: i32) -> (i32, i32) {
    %c0_i32 = arith.constant 0 : i32
    %c0_i32_0 = arith.constant 0 : i32
    return %arg0, %c0_i32 : i32, i32
  }
}

module attributes {stable_mosaic.version = 14 : i64} {
  func.func @_combine2_body(%arg0: i32, %arg1: memref<2x128x128xf32, #tpu.memory_space<vmem>>, %arg2: memref<128x128xf32, #tpu.memory_space<vmem>>, %arg3: memref<128x1xf32, #tpu.memory_space<vmem>>, %arg4: memref<128x128xf32, #tpu.memory_space<vmem>>, %arg5: memref<1x128xf32, #tpu.memory_space<vmem>>, %arg6: memref<128x128xf32, #tpu.memory_space<vmem>>, %arg7: memref<1x128xf32, #tpu.memory_space<vmem>>, %arg8: memref<128x40xf32, #tpu.memory_space<vmem>>, %arg9: memref<1x40xf32, #tpu.memory_space<vmem>>, %arg10: memref<128x40xf32, #tpu.memory_space<vmem>>) attributes {dimension_semantics = [#tpu.dimension_semantics<arbitrary>], iteration_bounds = array<i64: 79>, scalar_prefetch = 0 : i64, scratch_operands = 0 : i64, tpu.core_type = #tpu.core_type<tc>, window_params = [{transform_indices = @transform_0, window_bounds = array<i64: 2, 128, 128>}, {transform_indices = @transform_1, window_bounds = array<i64: 128, 128>}, {transform_indices = @transform_2, window_bounds = array<i64: 128, 1>}, {pipeline_mode = #tpu.pipeline_mode<synchronous>, transform_indices = @transform_3, window_bounds = array<i64: 128, 128>}, {pipeline_mode = #tpu.pipeline_mode<synchronous>, transform_indices = @transform_4, window_bounds = array<i64: 1, 128>}, {pipeline_mode = #tpu.pipeline_mode<synchronous>, transform_indices = @transform_5, window_bounds = array<i64: 128, 128>}, {pipeline_mode = #tpu.pipeline_mode<synchronous>, transform_indices = @transform_6, window_bounds = array<i64: 1, 128>}, {pipeline_mode = #tpu.pipeline_mode<synchronous>, transform_indices = @transform_7, window_bounds = array<i64: 128, 40>}, {pipeline_mode = #tpu.pipeline_mode<synchronous>, transform_indices = @transform_8, window_bounds = array<i64: 1, 40>}, {transform_indices = @transform_9, window_bounds = array<i64: 128, 40>}]} {
    %get3A = arith.constant 0 : index
    %get3A_0 = arith.constant 0 : index
    %get3A_1 = vector.load %arg3[%get3A, %get3A_0] : memref<128x1xf32, #tpu.memory_space<vmem>>, vector<128x1xf32>
    %get3A_2 = arith.constant 0 : index
    %get3A_3 = arith.constant 0 : index
    %get3A_4 = arith.constant 0 : index
    %get3A_5 = vector.load %arg1[%get3A_2, %get3A_3, %get3A_4] : memref<2x128x128xf32, #tpu.memory_space<vmem>>, vector<1x128x128xf32>
    %get3A_6 = vector.shape_cast %get3A_5 : vector<1x128x128xf32> to vector<128x128xf32>
    %get3A_7 = arith.constant 1 : index
    %get3A_8 = arith.constant 0 : index
    %get3A_9 = arith.constant 0 : index
    %get3A_10 = vector.load %arg1[%get3A_7, %get3A_8, %get3A_9] : memref<2x128x128xf32, #tpu.memory_space<vmem>>, vector<1x128x128xf32>
    %get3A_11 = vector.shape_cast %get3A_10 : vector<1x128x128xf32> to vector<128x128xf32>
    %add3A = arith.addf %get3A_6, %get3A_11 : vector<128x128xf32>
    %mul3A = vector.broadcast %get3A_1 : vector<128x1xf32> to vector<128x128xf32>
    %mul3A_12 = arith.mulf %mul3A, %add3A : vector<128x128xf32>
    %mul3A_13 = arith.mulf %get3A_1, %get3A_1 : vector<128x1xf32>
    %get3A_14 = arith.constant 0 : index
    %get3A_15 = arith.constant 0 : index
    %get3A_16 = vector.load %arg2[%get3A_14, %get3A_15] : memref<128x128xf32, #tpu.memory_space<vmem>>, vector<128x128xf32>
    %mul3A_17 = vector.broadcast %mul3A_13 : vector<128x1xf32> to vector<128x128xf32>
    %mul3A_18 = arith.mulf %mul3A_17, %get3A_16 : vector<128x128xf32>
    %add3A_19 = arith.addf %mul3A_12, %mul3A_18 : vector<128x128xf32>
    %get3A_20 = arith.constant 0 : index
    %get3A_21 = arith.constant 0 : index
    %get3A_22 = vector.load %arg4[%get3A_20, %get3A_21] : memref<128x128xf32, #tpu.memory_space<vmem>>, vector<128x128xf32>
    %dot_general3A = arith.constant dense<0.000000e+00> : vector<128x128xf32>
    %dot_general3A_23 = tpu.matmul %add3A_19, %get3A_22, %dot_general3A {dimension_numbers = #tpu.dot_dimension_numbers<[1], [0], [0], [1], [0, 0, 1, 1], [], []>, transpose_lhs_hint = false} : vector<128x128xf32>, vector<128x128xf32>, vector<128x128xf32> -> vector<128x128xf32>
    %get3A_24 = arith.constant 0 : index
    %get3A_25 = arith.constant 0 : index
    %get3A_26 = vector.load %arg5[%get3A_24, %get3A_25] : memref<1x128xf32, #tpu.memory_space<vmem>>, vector<1x128xf32>
    %add3A_27 = vector.broadcast %get3A_26 : vector<1x128xf32> to vector<128x128xf32>
    %add3A_28 = arith.addf %dot_general3A_23, %add3A_27 : vector<128x128xf32>
    %get3A_29 = arith.constant 0 : index
    %get3A_30 = arith.constant 0 : index
    %get3A_31 = vector.load %arg6[%get3A_29, %get3A_30] : memref<128x128xf32, #tpu.memory_space<vmem>>, vector<128x128xf32>
    %dot_general3A_32 = arith.constant dense<0.000000e+00> : vector<128x128xf32>
    %dot_general3A_33 = tpu.matmul %add3A_28, %get3A_31, %dot_general3A_32 {dimension_numbers = #tpu.dot_dimension_numbers<[1], [0], [0], [1], [0, 0, 1, 1], [], []>, transpose_lhs_hint = false} : vector<128x128xf32>, vector<128x128xf32>, vector<128x128xf32> -> vector<128x128xf32>
    %get3A_34 = arith.constant 0 : index
    %get3A_35 = arith.constant 0 : index
    %get3A_36 = vector.load %arg7[%get3A_34, %get3A_35] : memref<1x128xf32, #tpu.memory_space<vmem>>, vector<1x128xf32>
    %add3A_37 = vector.broadcast %get3A_36 : vector<1x128xf32> to vector<128x128xf32>
    %add3A_38 = arith.addf %dot_general3A_33, %add3A_37 : vector<128x128xf32>
    %max3A = arith.constant 0.000000e+00 : f32
    %max3A_39 = vector.broadcast %max3A : f32 to vector<128x128xf32>
    %max3A_40 = arith.maximumf %add3A_38, %max3A_39 : vector<128x128xf32>
    %get3A_41 = arith.constant 0 : index
    %get3A_42 = arith.constant 0 : index
    %get3A_43 = vector.load %arg8[%get3A_41, %get3A_42] : memref<128x40xf32, #tpu.memory_space<vmem>>, vector<128x40xf32>
    %dot_general3A_44 = arith.constant dense<0.000000e+00> : vector<128x40xf32>
    %dot_general3A_45 = tpu.matmul %max3A_40, %get3A_43, %dot_general3A_44 {dimension_numbers = #tpu.dot_dimension_numbers<[1], [0], [0], [1], [0, 0, 1, 1], [], []>, transpose_lhs_hint = false} : vector<128x128xf32>, vector<128x40xf32>, vector<128x40xf32> -> vector<128x40xf32>
    %get3A_46 = arith.constant 0 : index
    %get3A_47 = arith.constant 0 : index
    %get3A_48 = vector.load %arg9[%get3A_46, %get3A_47] : memref<1x40xf32, #tpu.memory_space<vmem>>, vector<1x40xf32>
    %add3A_49 = vector.broadcast %get3A_48 : vector<1x40xf32> to vector<128x40xf32>
    %add3A_50 = arith.addf %dot_general3A_45, %add3A_49 : vector<128x40xf32>
    %swap3A = arith.constant 0 : index
    %swap3A_51 = arith.constant 0 : index
    %swap3A_52 = vector.load %arg10[%swap3A, %swap3A_51] : memref<128x40xf32, #tpu.memory_space<vmem>>, vector<128x40xf32>
    tpu.vector_store %arg10[%swap3A, %swap3A_51], %add3A_50 {strides = array<i32>} : memref<128x40xf32, #tpu.memory_space<vmem>>, vector<128x40xf32>,
    return
  }
  func.func @transform_0(%arg0: i32) -> (i32, i32, i32) {
    %c0_i32 = arith.constant 0 : i32
    %c0_i32_0 = arith.constant 0 : i32
    %c0_i32_1 = arith.constant 0 : i32
    return %c0_i32, %arg0, %c0_i32_0 : i32, i32, i32
  }
  func.func @transform_1(%arg0: i32) -> (i32, i32) {
    %c0_i32 = arith.constant 0 : i32
    %c0_i32_0 = arith.constant 0 : i32
    return %arg0, %c0_i32 : i32, i32
  }
  func.func @transform_2(%arg0: i32) -> (i32, i32) {
    %c0_i32 = arith.constant 0 : i32
    %c0_i32_0 = arith.constant 0 : i32
    return %arg0, %c0_i32 : i32, i32
  }
  func.func @transform_3(%arg0: i32) -> (i32, i32) {
    %c0_i32 = arith.constant 0 : i32
    %c0_i32_0 = arith.constant 0 : i32
    %c0_i32_1 = arith.constant 0 : i32
    return %c0_i32, %c0_i32_0 : i32, i32
  }
  func.func @transform_4(%arg0: i32) -> (i32, i32) {
    %c0_i32 = arith.constant 0 : i32
    %c0_i32_0 = arith.constant 0 : i32
    %c0_i32_1 = arith.constant 0 : i32
    return %c0_i32, %c0_i32_0 : i32, i32
  }
  func.func @transform_5(%arg0: i32) -> (i32, i32) {
    %c0_i32 = arith.constant 0 : i32
    %c0_i32_0 = arith.constant 0 : i32
    %c0_i32_1 = arith.constant 0 : i32
    return %c0_i32, %c0_i32_0 : i32, i32
  }
  func.func @transform_6(%arg0: i32) -> (i32, i32) {
    %c0_i32 = arith.constant 0 : i32
    %c0_i32_0 = arith.constant 0 : i32
    %c0_i32_1 = arith.constant 0 : i32
    return %c0_i32, %c0_i32_0 : i32, i32
  }
  func.func @transform_7(%arg0: i32) -> (i32, i32) {
    %c0_i32 = arith.constant 0 : i32
    %c0_i32_0 = arith.constant 0 : i32
    %c0_i32_1 = arith.constant 0 : i32
    return %c0_i32, %c0_i32_0 : i32, i32
  }
  func.func @transform_8(%arg0: i32) -> (i32, i32) {
    %c0_i32 = arith.constant 0 : i32
    %c0_i32_0 = arith.constant 0 : i32
    %c0_i32_1 = arith.constant 0 : i32
    return %c0_i32, %c0_i32_0 : i32, i32
  }
  func.func @transform_9(%arg0: i32) -> (i32, i32) {
    %c0_i32 = arith.constant 0 : i32
    %c0_i32_0 = arith.constant 0 : i32
    return %arg0, %c0_i32 : i32, i32
  }
}

</mosaic_0001>

<sc_bundles>
// kernel: kernel.11.cloned.1.call-start
scs
__scs_entry_jumppad:
0x0: {  	(pc) =	sbr.rel $0x88, $3  }
0x1: {  	(tag) =	ssettag $0x0;
	lr =	simm.s32 $0x1  }
0x2: {  	[smem:$0x3F97] =	sst lr;
	_ =	strace $0xD0000000  }
0x3: {  	_ = 	snop  }
0x4: {  	_ = 	snop  }
0x5: {  	_ = 	snop  }
0x6: {  	_ = 	snop  }
0x7: {  	_ = 	snop  }
__scs_overlays_trampoline_lowered:
0x8: {  	[smem:$0x3FA6] =	sst s0  }
0x9: {  	[smem:$0x3FA7] =	sst s1  }
0xa: {  	[smem:$0x3FA8] =	sst s2  }
0xb: {  	[smem:$0x3FA9] =	sst s3  }
0xc: {  	[smem:$0x3FAA] =	sst s4  }
0xd: {  	[smem:$0x3FAB] =	sst s5  }
0xe: {  	[smem:$0x3FAC] =	sst s6  }
0xf: {  	[smem:$0x3FAD] =	sst s7  }
0x10: {  	[smem:$0x3FAE] =	sst s8  }
0x11: {  	[smem:$0x3FAF] =	sst s9;
	s0 =	simm.s32 @!p0 $0x0  }
0x12: {  	s1 =	sld [smem:$0x3F95];
	s0 =	simm.s32 @p0 $0x1  }
0x13: {  	[smem:$0x3FB0] =	sst s0;
	s0 =	simm.s32 @!p1 $0x0  }
0x14: {  	s2 =	sld [smem:$0x3F94];
	s0 =	simm.s32 @p1 $0x1  }
0x15: {  	[smem:$0x3FB1] =	sst s0;
	s0 =	simm.s32 @!p2 $0x0  }
0x16: {  	s3 =	sld [smem:$0x3FDB];
	s0 =	simm.s32 @p2 $0x1  }
0x17: {  	s4 =	simm.s32 $0x1BF5;
	[smem:$0x3FB3] =	sst s0  }
0x18: {  	s0 =	sld [smem:$0x3F96];
	_ =	swait.ge [sflag:s4], $0x0  }
0x19: {  	s7 =	sld [smem:$0x3F97]  }
0x1a: {  	s8 =	sadd.s32 $0xFFFFE003, lr  }
0x1b: {  	s9 =	sadd.s32 $0xFFFFFEF7, lr;
	s5 =	simm.s32 $0xFFFFFFFF;
	p2 =	slt.u32 s8, $0xFFFFF086  }
0x1c: {  	p1 =	slt.u32 s9, $0xF7A;
	s5 =	simm.s32 @!p2 $0x0  }
0x1d: {  	s5 =	simm.s32 @p1 $0x1;
	p0 =	seq.s32 s7, s2  }
0x1e: {  	s7 =	smul.u32 @!p0 $0xF7A, s2;
	p2 =	seq.s32 @!p0 s5, $0x0  }
0x1f: {  	s9 =	smul.u32 $0xF7A, s1;
	s8 =	simm.s32 @!p0 $0x1BF5;
	p2 =	por !p2, p0  }
0x20: {  	[sflag:s8] =	ssyncset.s32 @!p0 $0xFFFFF086;
	s6 =	sadd.s32 @!p0 s3, s7;
	s7 =	simm.s32 @!p0 $0x108  }
0x21: {  	s3 =	sadd.s32 s3, s9;
	s6 =	sadd.s32 @!p0 $0x88, s6;
	s7 =	simm.s32 @p2 $0x1082  }
0x22: {  	[simem:s7], [sflag:s8] =	dma.local @!p0 [hbm:s6], $0xF7A  }
0x23: {  	s9 =	sor.u32 $0xD0000000, s2;
	s6 =	simm.s32 $0x108;
	_ =	swait.ge @!p0 [sflag:s8], $0x0  }
0x24: {  	s3 =	sadd.s32 $0x88, s3;
	s6 =	simm.s32 @!p1 $0x1082;
	[sflag:s4] =	ssyncset.s32 $0xFFFFF086  }
0x25: {  	[simem:s6], [sflag:s4] =	dma.local [hbm:s3], $0xF7A  }
0x26: {  	[smem:$0x3F97] =	sst s1;
	(tag) =	ssettag s2;
	_ =	strace s9  }
0x27: {  	s1 =	sld [smem:$0x3FA7]  }
0x28: {  	s2 =	sld [smem:$0x3FA8]  }
0x29: {  	s4 =	sld [smem:$0x3FAA]  }
0x2a: {  	p0 =	seq.s32 s5, $0x0;
	s5 =	sld [smem:$0x3FAB]  }
0x2b: {  	s6 =	sld [smem:$0x3FAC]  }
0x2c: {  	s7 =	sld [smem:$0x3FAD]  }
0x2d: {  	s3 =	simm.s32 $0x108;
	s8 =	sld [smem:$0x3FAE]  }
0x2e: {  	s3 =	simm.s32 @!p0 $0x1082;
	s9 =	sld [smem:$0x3FAF]  }
0x2f: {  	lr =	sadd.s32 s0, s3;
	s0 =	sld [smem:$0x3FA6]  }
0x30: {  	s3 =	sld [smem:$0x3FA9]  }
0x31: {  	[smem:$0x3FB2] =	sst s10  }
0x32: {  	s10 =	sld [smem:$0x3FB0];
	_ =	sdelay $0x3  }
0x33: {  	p0 =	seq.s32 s10, $0x1;
	s10 =	sld [smem:$0x3FB2];
	_ =	sdelay $0x3  }
0x34: {  	[smem:$0x3FB2] =	sst s10  }
0x35: {  	s10 =	sld [smem:$0x3FB1];
	_ =	sdelay $0x3  }
0x36: {  	p1 =	seq.s32 s10, $0x1;
	s10 =	sld [smem:$0x3FB2];
	_ =	sdelay $0x3  }
0x37: {  	[smem:$0x3FB2] =	sst s10  }
0x38: {  	s10 =	sld [smem:$0x3FB3]  }
0x39: {  	_ = 	snop;
	(pc) =	sbr.ind lr, $3  }
0x3a: {  	_ = 	snop  }
0x3b: {  	_ = 	snop  }
0x3c: {  	p2 =	seq.s32 s10, $0x1;
	s10 =	sld [smem:$0x3FB2]  }
0x3d: {  	_ =	shalt  }
0x3e: {  	_ =	shalt  }
0x3f: {  	_ =	shalt  }
0x40: {  	_ =	shalt  }
0x41: {  	_ =	shalt  }
0x42: {  	_ =	shalt  }
0x43: {  	_ =	shalt  }
0x44: {  	_ =	shalt  }
0x45: {  	_ =	shalt  }
0x46: {  	_ =	shalt  }
0x47: {  	_ =	shalt  }
0x48: {  	_ =	shalt  }
0x49: {  	_ =	shalt  }
0x4a: {  	_ =	shalt  }
0x4b: {  	_ =	shalt  }
0x4c: {  	_ =	shalt  }
0x4d: {  	_ =	shalt  }
0x4e: {  	_ =	shalt  }
0x4f: {  	_ =	shalt  }
0x50: {  	_ =	shalt  }
0x51: {  	_ =	shalt  }
0x52: {  	_ =	shalt  }
0x53: {  	_ =	shalt  }
0x54: {  	_ =	shalt  }
0x55: {  	_ =	shalt  }
0x56: {  	_ =	shalt  }
0x57: {  	_ =	shalt  }
0x58: {  	_ =	shalt  }
0x59: {  	_ =	shalt  }
0x5a: {  	_ =	shalt  }
0x5b: {  	_ =	shalt  }
0x5c: {  	_ =	shalt  }
0x5d: {  	_ =	shalt  }
0x5e: {  	_ =	shalt  }
0x5f: {  	_ =	shalt  }
0x60: {  	_ =	shalt  }
0x61: {  	_ =	shalt  }
0x62: {  	_ =	shalt  }
0x63: {  	_ =	shalt  }
0x64: {  	_ =	shalt  }
0x65: {  	_ =	shalt  }
0x66: {  	_ =	shalt  }
0x67: {  	_ =	shalt  }
0x68: {  	_ =	shalt  }
0x69: {  	_ =	shalt  }
0x6a: {  	_ =	shalt  }
0x6b: {  	_ =	shalt  }
0x6c: {  	_ =	shalt  }
0x6d: {  	_ =	shalt  }
0x6e: {  	_ =	shalt  }
0x6f: {  	_ =	shalt  }
0x70: {  	_ =	shalt  }
0x71: {  	_ =	shalt  }
0x72: {  	_ =	shalt  }
0x73: {  	_ =	shalt  }
0x74: {  	_ =	shalt  }
0x75: {  	_ =	shalt  }
0x76: {  	_ =	shalt  }
0x77: {  	_ =	shalt  }
0x78: {  	_ =	shalt  }
0x79: {  	_ =	shalt  }
0x7a: {  	_ =	shalt  }
0x7b: {  	_ =	shalt  }
0x7c: {  	_ =	shalt  }
0x7d: {  	_ =	shalt  }
0x7e: {  	_ =	shalt  }
0x7f: {  	_ =	shalt  }
0x80: {  	_ =	shalt  }
0x81: {  	_ =	shalt  }
0x82: {  	_ =	shalt  }
0x83: {  	_ =	shalt  }
0x84: {  	_ =	shalt  }
0x85: {  	_ =	shalt  }
0x86: {  	_ =	shalt  }
0x87: {  	_ =	shalt  }
.Lfunc_end0:
.L_simem_size_0:
called_computation.1_lowered:
.L_overlay_start_0:
0x88: {  	s2 =	sld [smem:$0x3FD9]  }
0x89: {  	s3 =	sld [smem:$0x3FFE];
	_ =	sdelay $0x1  }
0x8a: {  	s1 =	srdreg.scid  }
0x8b: {  	s0 =	sand.u32 $0x1, s1  }
0x8c: {  	s17 =	sshll.u32 s0, $0xA;
	s2 =	sadd.s32 s3, s2  }
0x8d: {  	s2 =	sadd.s32 s2, s17  }
0x8e: {  	[smem:$0x3FBE] =	sst s2  }
0x8f: {  	_ = 	snop  }
0x90: {  	s2 =	sld [smem:$0x3FD0];
	(tm) =	ssettm $0x1  }
0x91: {  	s18 =	sld [smem:$0x3FFB];
	_ =	sdelay $0x3  }
0x92: {  	_ =	strace s18  }
0x93: {  	s3 =	sld [smem:$0x3FFC];
	_ =	sdelay $0x3  }
0x94: {  	_ =	strace s3  }
0x95: {  	s3 =	sld [smem:$0x3FFD];
	_ =	sdelay $0x3  }
0x96: {  	_ =	strace s3  }
0x97: {  	_ =	strace $0x8FFFFFFF  }
0x98: {  	s19 =	sld [smem:$0x3FDB];
	_ =	sdelay $0x1  }
0x99: {  	s4 =	simm.s32 $_scs_section_size  }
0x9a: {  	s5 =	simm.s32 $_size__tile_overlayer_lowered;
	s6 =	simm.s32 $_tile_overlayer_lowered  }
0x9b: {  	s22 =	simm.s32 $0x1BFF;
	s21 =	sshll.u32 s6, $0x1;
	s3 =	sadd.s32 s4, s19  }
0x9c: {  	s7 =	simm.s32 $0x0;
	s20 =	sshll.u32 s5, $0x1;
	s5 =	sadd.s32 s21, s3  }
0x9d: {  	[timem:s7], [sflag:s22] =	dma.local [hbm:s5], s20  }
0x9e: {  	_ =	swait.ge [sflag:s22], s20  }
0x9f: {  	s4 =	ssub.s32 $0x0, s20;
	[sflag:s22] =	ssyncset.done $0x0  }
0xa0: {  	[sflag:s22] =	ssyncadd.s32 s4;
	_ =	sdelay $0x1  }
0xa1: {  	s23 =	simm.s32 $0x1B8B  }
0xa2: {  	_ =	swait.ge [sflag:s23], $0x1  }
0xa3: {  	[sflag:s23] =	ssyncset.done $0x0  }
0xa4: {  	s25 =	simm.s32 $0x1B8E;
	s24 =	sld [smem:$0x3FFE];
	[sflag:s23] =	ssyncadd.s32 $0xFFFFFFFF  }
0xa5: {  	s26 =	simm.s32 $execute0_lowered;
	[smem:$0x3FD2] =	sst s25  }
0xa6: {  	s5 =	sshll.u32 s26, $0x1;
	_ =	strace $0x80000049;
	[dreg:$0x1] =	wrdreg $0xFFFFFFFF  }
0xa7: {  	s28 =	simm.s32 $_size_execute0_lowered;
	s3 =	sadd.s32 s3, s5;
	[dreg:$0x0] =	wrdreg $0x0  }
0xa8: {  	s5 =	sshll.u32 s28, $0x1;
	[dreg:$0x2] =	wrdreg s3  }
0xa9: {  	[dreg:$0x3] =	wrdreg s5  }
0xaa: {  	[dreg:$0x4] =	wrdreg $0xC0  }
0xab: {  	_ =	task [dreg:s7], $0x5FFFF  }
0xac: {  	[dreg:$0x1] =	wrdreg $0xFFFFFFFF  }
0xad: {  	[dreg:$0x0] =	wrdreg $0x60  }
0xae: {  	[dreg:$0x2] =	wrdreg s24  }
0xaf: {  	[dreg:$0x3] =	wrdreg s2  }
0xb0: {  	[dreg:$0x4] =	wrdreg $0xAA000  }
0xb1: {  	[dreg:$0x5] =	wrdreg $0x9  }
0xb2: {  	_ =	task.clear_ibuf [dreg:s7], $0x6FFFF;
	_ =	strace $0x90000049  }
0xb3: {  	s29 =	simm.s32 $0x9;
	_ =	strace $0x8000004B  }
0xb4: {  	_ =	swait.ge [sflag:s29], $0x1  }
0xb5: {  	[sflag:s29] =	ssyncadd.s32 $0xFFFFFFFF  }
0xb6: {  	_ =	strace $0x9000004B  }
0xb7: {  	_ =	sfence  }
0xb8: {  	s30 =	sld [smem:$0x0];
	_ =	sdelay $0x2  }
0xb9: {  	s31 =	sshll.u32 s1, $0xD;
	s1 =	sshrl.u32 s1, $0x2  }
0xba: {  	s3 =	sand.u32 $0x4000, s31;
	s1 =	sadd.s32 s1, s30  }
0xbb: {  	s0 =	sor.u32 s3, s0;
	s1 =	sshll.u32 s1, $0x11  }
0xbc: {  	s0 =	sor.u32 s1, s0  }
0xbd: {  	s0 =	sadd.s32 $0x8F2B, s0  }
0xbe: {  	[sflag:s0] =	ssyncadd.remote.s32 $0x1  }
0xbf: {  	_ =	sfence.sel $0xFFFF  }
0xc0: {  	[dreg:$0x0] =	wrdreg $0xFFFFFFFF;
	(pc) =	sbr.abs _section_cstart, $3  }
0xc1: {  	[dreg:$0x1] =	wrdreg $0xFFFFFFFF  }
0xc2: {  	_ =	task.clear_ibuf [dreg:s7], $0x2FFFF;
	_ =	strace $0x9FFFFFFF  }
0xc3: {  	(tm) =	ssettm $0x7FFFFFFF  }
tec
execute0_lowered:
.L_overlay_start_1:
0x0: {  	(tag) =	ssettag $0x1  }
0x1: {  	s5 =	rddreg [dreg:$0x0]  }
0x2: {  	s6 =	rddreg [dreg:$0x1]  }
0x3: {  	s2 =	rddreg [dreg:$0x2]  }
0x4: {  	s0 =	rddreg [dreg:$0x3]  }
0x5: {  	s1 =	stileid.u32;
	s4 =	srdreg.scid  }
0x6: {  	s3 =	simm.s32 $0x0;
	s13 =	simm.s32 $0x2800;
	s14 =	simm.s32 $0x2A00  }
0x7: {  	s15 =	simm.s32 $0x1;
	s16 =	simm.s32 $0x2900;
	s17 =	simm.s32 $0x6A00  }
0x8: {  	s18 =	simm.s32 $0x2880;
	s19 =	simm.s32 $0x2;
	s20 =	simm.s32 $0x2980  }
0x9: {  	s21 =	simm.s32 $0x3;
	s22 =	simm.s32 $0x4;
	s23 =	simm.s32 $0x0  }
0xa: {  	s7 =	smul.u32 $0x13C00, s1;
	s8 =	sand.u32 $0x1, s4;
	[smem:$0x7FF] =	sst s3  }
0xb: {  	s4 =	sadd.s32 $0x2600, s5;
	s28 =	sshll.u32 s1, $0x1;
	s29 =	smul.u32 $0x4F000, s1  }
0xc: {  	s31 =	sshll.u32 s1, $0x6;
	s9 =	smul.u32 $0x13C000, s8;
	_ =	strace $0x8000004A  }
0xd: {  	s11 =	ssub.s32 $0x2, s8;
	s8 =	sor.u32 s8, s28;
	s10 =	sshrl.u32 s7, $0x3  }
0xe: {  	s12 =	sshrl.u32 s11, $0x1;
	s8 =	smul.u32 $0x500, s8;
	s10 =	sadd.s32 s10, s5  }
.Ltmp0:
0xf: {  	s7 =	sadd.s32 s7, s9;
	s11 =	ssub.s32 s11, s12;
	(pc) =	sbr.rel .LBB2_1-.Ltmp0, $4  }
0x10: {  	s9 =	sshrl.u32 s29, $0x2;
	s12 =	simm.s32 $0x80;
	s7 =	sshrl.u32 s7, $0x3  }
0x11: {  	s30 =	sadd.s32 s9, s2;
	s9 =	simm.s32 $0x5;
	s7 =	sadd.s32 s7, s5  }
0x12: {  	s5 =	sadd.s32 s6, s8;
	s6 =	sadd.s32 $0x29E00, s10;
	s8 =	smax.u32 s11, $0x1  }
0x13: {  	s10 =	sor.u32 $0x1C05, s31;
	s11 =	sshrl.u32 s30, $0x3;
	s7 =	sadd.s32 $0x51600, s7  }
.LBB2_4:
0x14: {  	[spmem:s2] =	stream.indirect.scatter.add.f32 [tilespmem:s17], [sflag:$0x4], $0x80, s20, s12, $0xb8;
	[tilespmem:$0x1E600] =	vst v63  }
0x15: {  	_ =	swait.ge [sflag:s21], $0x4000  }
0x16: {  	[sflag:s21] =	ssyncset.done $0x0  }
0x17: {  	[sflag:s21] =	ssyncadd.s32 $0xFFFFC000  }
0x18: {  	_ =	swait.ge [sflag:s22], $0x4000  }
0x19: {  	s23 =	sadd.s32 $0x1, s23;
	[sflag:s22] =	ssyncset.done $0x0  }
0x1a: {  	p0 =	sne.s32 s23, s8;
	[sflag:s22] =	ssyncadd.s32 $0xFFFFC000  }
.Ltmp1:
0x1b: {  	[bflag:$0x0] =	sbarrier.arrive $0xFFFF;
	(pc) =	sbr.rel @!p0 .LBB2_5-.Ltmp1, $4  }
0x1c: {  	[hbm:s7], [sflag:s10] =	dma.local [spmem:s11], $0x2780  }
0x1d: {  	_ =	swait.ge [sflag:s9], $0x2780  }
0x1e: {  	[sflag:s9] =	ssyncset.done $0x0  }
0x1f: {  	[sflag:s9] =	ssyncadd.s32 $0xFFFFD880  }
.LBB2_1:
0x20: {  	[tilespmem:s3], [sflag:$0x5] =	stream.linear.gather [hbm4b:s5+s3], $0x2800, $0x38;
	[tilespmem:$0x1E600] =	vst v63  }
0x21: {  	_ =	swait.ge [sflag:s9], $0x2800  }
0x22: {  	[sflag:s9] =	ssyncset.done $0x0  }
0x23: {  	[sflag:s9] =	ssyncadd.s32 $0xFFFFD800  }
0x24: {  	[spmem:s11], [sflag:s10] =	dma.local [hbm:s6], $0x2780  }
0x25: {  	_ =	swait.ge [sflag:s9], $0x2780  }
0x26: {  	[sflag:s9] =	ssyncset.done $0x0  }
0x27: {  	[sflag:s9] =	ssyncadd.s32 $0xFFFFD880  }
0x28: {  	[bflag:$0x0] =	sbarrier.arrive $0xFFFF  }
0x29: {  	v0 =	vld [tilespmem:$0x0];
	_ =	sdelay $0x1  }
0x2a: {  	v1 =	vld [tilespmem:$0x10];
	_ =	sdelay $0x1  }
0x2b: {  	v2 =	vld [tilespmem:$0x20]  }
0x2c: {  	v3 =	vand.u32 $0xFFFF, v0  }
0x2d: {  	v45 =	vld [tilespmem:$0x30];
	v0 =	vshrl.u32 v0, $0x10;
	[tilespmem:$0x2800] =	vst v3  }
0x2e: {  	v46 =	vand.u32 $0xFFFF, v1;
	[tilespmem:$0x2880] =	vst v0  }
0x2f: {  	v48 =	vld [tilespmem:$0x40];
	v47 =	vshrl.u32 v1, $0x10;
	[tilespmem:$0x2810] =	vst v46  }
0x30: {  	v49 =	vand.u32 $0xFFFF, v2;
	[tilespmem:$0x2890] =	vst v47  }
0x31: {  	v51 =	vld [tilespmem:$0x50];
	v50 =	vshrl.u32 v2, $0x10;
	[tilespmem:$0x2820] =	vst v49  }
0x32: {  	v52 =	vand.u32 $0xFFFF, v45;
	[tilespmem:$0x28A0] =	vst v50  }
0x33: {  	v54 =	vld [tilespmem:$0x60];
	v53 =	vshrl.u32 v45, $0x10;
	[tilespmem:$0x2830] =	vst v52  }
0x34: {  	v55 =	vand.u32 $0xFFFF, v48;
	[tilespmem:$0x28B0] =	vst v53  }
0x35: {  	v57 =	vld [tilespmem:$0x70];
	v56 =	vshrl.u32 v48, $0x10;
	[tilespmem:$0x2840] =	vst v55  }
0x36: {  	v58 =	vand.u32 $0xFFFF, v51;
	[tilespmem:$0x28C0] =	vst v56  }
0x37: {  	v59 =	vshrl.u32 v51, $0x10;
	[tilespmem:$0x2850] =	vst v58  }
0x38: {  	v60 =	vand.u32 $0xFFFF, v54;
	[tilespmem:$0x28D0] =	vst v59  }
0x39: {  	v61 =	vshrl.u32 v54, $0x10;
	[tilespmem:$0x2860] =	vst v60  }
0x3a: {  	v62 =	vand.u32 $0xFFFF, v57;
	[tilespmem:$0x28E0] =	vst v61  }
0x3b: {  	v63 =	vshrl.u32 v57, $0x10;
	[tilespmem:$0x2870] =	vst v62  }
0x3c: {  	s24 =	simm.s32 $0x0;
	[tilespmem:$0x28F0] =	vst v63  }
0x3d: {  	[tilespmem:s14], [sflag:$0x1] =	stream.indirect.gather [hbm4b:s4+s12], $0x80, s13, s12, $0xb8;
	[tilespmem:$0x1E600] =	vst v63  }
.LBB2_2:
0x3e: {  	_ =	swait.ge [sflag:s15], $0x4000  }
0x3f: {  	p0 =	seq.s32 s24, $0x0;
	[sflag:s15] =	ssyncset.done $0x0  }
0x40: {  	s25 =	simm.s32 @!p0 $0x4;
	[sflag:s15] =	ssyncadd.s32 $0xFFFFC000  }
0x41: {  	_ =	swait.ge @!p0 [sflag:s25], $0x4000  }
0x42: {  	[sflag:s25] =	ssyncset.done @!p0 $0x0  }
0x43: {  	[sflag:s25] =	ssyncadd.s32 @!p0 $0xFFFFC000;
	s25 =	sshra.s32 s24, $0x2  }
0x44: {  	v0 =	vld [tilespmem:s25+$0x80];
	_ =	sdelay $0x4  }
0x45: {  	v1 =	vand.u32 $0xFFFF, v0  }
0x46: {  	v0 =	vshrl.u32 v0, $0x10;
	[tilespmem:$0x2900] =	vst v1  }
0x47: {  	[tilespmem:$0x2980] =	vst v0  }
0x48: {  	v0 =	vld [tilespmem:s25+$0x90];
	_ =	sdelay $0x4  }
0x49: {  	v57 =	vand.u32 $0xFFFF, v0  }
0x4a: {  	v0 =	vshrl.u32 v0, $0x10;
	[tilespmem:$0x2910] =	vst v57  }
0x4b: {  	[tilespmem:$0x2990] =	vst v0  }
0x4c: {  	v0 =	vld [tilespmem:s25+$0xA0];
	_ =	sdelay $0x4  }
0x4d: {  	v58 =	vand.u32 $0xFFFF, v0  }
0x4e: {  	v0 =	vshrl.u32 v0, $0x10;
	[tilespmem:$0x2920] =	vst v58  }
0x4f: {  	[tilespmem:$0x29A0] =	vst v0  }
0x50: {  	v0 =	vld [tilespmem:s25+$0xB0];
	_ =	sdelay $0x4  }
0x51: {  	v59 =	vand.u32 $0xFFFF, v0  }
0x52: {  	v0 =	vshrl.u32 v0, $0x10;
	[tilespmem:$0x2930] =	vst v59  }
0x53: {  	[tilespmem:$0x29B0] =	vst v0  }
0x54: {  	v0 =	vld [tilespmem:s25+$0xC0];
	_ =	sdelay $0x4  }
0x55: {  	v60 =	vand.u32 $0xFFFF, v0  }
0x56: {  	v0 =	vshrl.u32 v0, $0x10;
	[tilespmem:$0x2940] =	vst v60  }
0x57: {  	[tilespmem:$0x29C0] =	vst v0  }
0x58: {  	v0 =	vld [tilespmem:s25+$0xD0];
	_ =	sdelay $0x4  }
0x59: {  	v61 =	vand.u32 $0xFFFF, v0  }
0x5a: {  	v0 =	vshrl.u32 v0, $0x10;
	[tilespmem:$0x2950] =	vst v61  }
0x5b: {  	[tilespmem:$0x29D0] =	vst v0  }
0x5c: {  	v0 =	vld [tilespmem:s25+$0xE0];
	_ =	sdelay $0x4  }
0x5d: {  	v62 =	vand.u32 $0xFFFF, v0  }
0x5e: {  	v0 =	vshrl.u32 v0, $0x10;
	[tilespmem:$0x2960] =	vst v62  }
0x5f: {  	[tilespmem:$0x29E0] =	vst v0  }
0x60: {  	v0 =	vld [tilespmem:s25+$0xF0];
	_ =	sdelay $0x4  }
0x61: {  	v63 =	vand.u32 $0xFFFF, v0  }
0x62: {  	v0 =	vshrl.u32 v0, $0x10;
	[tilespmem:$0x2970] =	vst v63  }
0x63: {  	p0 =	seq.s32 s24, $0x9C00;
	[tilespmem:$0x29F0] =	vst v0  }
0x64: {  	[tilespmem:s17], [sflag:$0x2] =	stream.indirect.gather [hbm4b:s4+s12], $0x80, s16, s12, $0xb8;
	[tilespmem:$0x1E600] =	vst v63  }
.Ltmp2:
0x65: {  	_ = 	snop;
	(pc) =	sbr.rel @p0 .LBB2_4-.Ltmp2, $4  }
0x66: {  	[spmem:s2] =	stream.indirect.scatter.add.f32 [tilespmem:s14], [sflag:$0x3], $0x80, s18, s12, $0xb8;
	[tilespmem:$0x1E600] =	vst v63  }
0x67: {  	_ =	swait.ge [sflag:s19], $0x4000  }
0x68: {  	[sflag:s19] =	ssyncset.done $0x0  }
0x69: {  	[sflag:s19] =	ssyncadd.s32 $0xFFFFC000  }
0x6a: {  	_ =	swait.ge [sflag:s21], $0x4000  }
0x6b: {  	[sflag:s21] =	ssyncset.done $0x0  }
0x6c: {  	[sflag:s21] =	ssyncadd.s32 $0xFFFFC000  }
0x6d: {  	v0 =	vld [tilespmem:s25+$0x100];
	_ =	sdelay $0x4  }
0x6e: {  	v1 =	vand.u32 $0xFFFF, v0  }
0x6f: {  	v0 =	vshrl.u32 v0, $0x10;
	[tilespmem:$0x2800] =	vst v1  }
0x70: {  	[tilespmem:$0x2880] =	vst v0  }
0x71: {  	v0 =	vld [tilespmem:s25+$0x110];
	_ =	sdelay $0x4  }
0x72: {  	v57 =	vand.u32 $0xFFFF, v0  }
0x73: {  	v0 =	vshrl.u32 v0, $0x10;
	[tilespmem:$0x2810] =	vst v57  }
0x74: {  	[tilespmem:$0x2890] =	vst v0  }
0x75: {  	v0 =	vld [tilespmem:s25+$0x120];
	_ =	sdelay $0x4  }
0x76: {  	v58 =	vand.u32 $0xFFFF, v0  }
0x77: {  	v0 =	vshrl.u32 v0, $0x10;
	[tilespmem:$0x2820] =	vst v58  }
0x78: {  	[tilespmem:$0x28A0] =	vst v0  }
0x79: {  	v0 =	vld [tilespmem:s25+$0x130];
	_ =	sdelay $0x4  }
0x7a: {  	v59 =	vand.u32 $0xFFFF, v0  }
0x7b: {  	v0 =	vshrl.u32 v0, $0x10;
	[tilespmem:$0x2830] =	vst v59  }
0x7c: {  	[tilespmem:$0x28B0] =	vst v0  }
0x7d: {  	v0 =	vld [tilespmem:s25+$0x140];
	_ =	sdelay $0x4  }
0x7e: {  	v60 =	vand.u32 $0xFFFF, v0  }
0x7f: {  	v0 =	vshrl.u32 v0, $0x10;
	[tilespmem:$0x2840] =	vst v60  }
0x80: {  	[tilespmem:$0x28C0] =	vst v0  }
0x81: {  	v0 =	vld [tilespmem:s25+$0x150];
	_ =	sdelay $0x4  }
0x82: {  	v61 =	vand.u32 $0xFFFF, v0  }
0x83: {  	v0 =	vshrl.u32 v0, $0x10;
	[tilespmem:$0x2850] =	vst v61  }
0x84: {  	[tilespmem:$0x28D0] =	vst v0  }
0x85: {  	v0 =	vld [tilespmem:s25+$0x160];
	_ =	sdelay $0x4  }
0x86: {  	v62 =	vand.u32 $0xFFFF, v0  }
0x87: {  	v0 =	vshrl.u32 v0, $0x10;
	[tilespmem:$0x2860] =	vst v62  }
0x88: {  	[tilespmem:$0x28E0] =	vst v0  }
0x89: {  	v0 =	vld [tilespmem:s25+$0x170];
	_ =	sdelay $0x4  }
0x8a: {  	v63 =	vand.u32 $0xFFFF, v0  }
.Ltmp3:
0x8b: {  	v0 =	vshrl.u32 v0, $0x10;
	[tilespmem:$0x2870] =	vst v63;
	(pc) =	sbr.rel .LBB2_2-.Ltmp3, $4  }
0x8c: {  	[tilespmem:$0x28F0] =	vst v0  }
0x8d: {  	[tilespmem:s14], [sflag:$0x1] =	stream.indirect.gather [hbm4b:s4+s12], $0x80, s13, s12, $0xb8;
	[tilespmem:$0x1E600] =	vst v63  }
0x8e: {  	s24 =	sadd.s32 $0x400, s24  }
0x8f: {  	[spmem:s2] =	stream.indirect.scatter.add.f32 [tilespmem:s17], [sflag:$0x4], $0x80, s20, s12, $0xb8;
	[tilespmem:$0x1E600] =	vst v63  }
.LBB2_5:
0x90: {  	_ =	sfence.sel $0x180000  }
0x91: {  	[bflag:$0x0] =	sbarrier.arrive $0xFFFF  }
0x92: {  	p0 =	sne.s32 s1, $0x0;
	_ =	strace $0x9000004A  }
0x93: {  	s0 =	sadd.s32 @!p0 $0x100000, s0;
	[bflag:$0x2] =	sbarrier.arrive $0xFFFF  }
0x94: {  	[sflag:s0] =	ssyncadd.tile.s32 @!p0 $0x1;
	_ =	shalt  }
.Lfunc_end2:
_tile_overlayer_lowered:
.L_overlay_start_2:
0x95: {  	(tag) =	ssettag $0x2  }
0x96: {  	s0 =	rddreg [dreg:$0x0];
	s2 =	stileid.u32  }
0x97: {  	s1 =	rddreg [dreg:$0x1];
	p0 =	sne.s32 s2, $0x0  }
0x98: {  	s3 =	rddreg [dreg:$0x2];
	[bflag:$0x3] =	sbarrier.arrive $0xFFFF;
	s2 =	simm.s32 @!p0 $0x1C05  }
0x99: {  	[timem:s3], [sflag:s2] =	dma.local @!p0 [hbm:s0], s1  }
0x9a: {  	s0 =	simm.s32 @!p0 $0x5  }
0x9b: {  	_ =	swait.ge @!p0 [sflag:s0], s1  }
0x9c: {  	s1 =	ssub.s32 @!p0 $0x0, s1;
	[sflag:s0] =	ssyncset.done @!p0 $0x0  }
0x9d: {  	[sflag:s0] =	ssyncadd.s32 @!p0 s1  }
0x9e: {  	[bflag:$0x3] =	sbarrier.arrive $0xFFFF  }
0x9f: {  	_ =	shalt  }

// kernel: kernel.14.cloned.1.call-start
scs
__scs_entry_jumppad:
0x0: {  	(pc) =	sbr.rel $0x88, $3  }
0x1: {  	(tag) =	ssettag $0x0;
	lr =	simm.s32 $0x1  }
0x2: {  	[smem:$0x3F97] =	sst lr;
	_ =	strace $0xD0000000  }
0x3: {  	_ = 	snop  }
0x4: {  	_ = 	snop  }
0x5: {  	_ = 	snop  }
0x6: {  	_ = 	snop  }
0x7: {  	_ = 	snop  }
__scs_overlays_trampoline_lowered:
0x8: {  	[smem:$0x3FA6] =	sst s0  }
0x9: {  	[smem:$0x3FA7] =	sst s1  }
0xa: {  	[smem:$0x3FA8] =	sst s2  }
0xb: {  	[smem:$0x3FA9] =	sst s3  }
0xc: {  	[smem:$0x3FAA] =	sst s4  }
0xd: {  	[smem:$0x3FAB] =	sst s5  }
0xe: {  	[smem:$0x3FAC] =	sst s6  }
0xf: {  	[smem:$0x3FAD] =	sst s7  }
0x10: {  	[smem:$0x3FAE] =	sst s8  }
0x11: {  	[smem:$0x3FAF] =	sst s9;
	s0 =	simm.s32 @!p0 $0x0  }
0x12: {  	s1 =	sld [smem:$0x3F95];
	s0 =	simm.s32 @p0 $0x1  }
0x13: {  	[smem:$0x3FB0] =	sst s0;
	s0 =	simm.s32 @!p1 $0x0  }
0x14: {  	s2 =	sld [smem:$0x3F94];
	s0 =	simm.s32 @p1 $0x1  }
0x15: {  	[smem:$0x3FB1] =	sst s0;
	s0 =	simm.s32 @!p2 $0x0  }
0x16: {  	s3 =	sld [smem:$0x3FDB];
	s0 =	simm.s32 @p2 $0x1  }
0x17: {  	s4 =	simm.s32 $0x1BF5;
	[smem:$0x3FB3] =	sst s0  }
0x18: {  	s0 =	sld [smem:$0x3F96];
	_ =	swait.ge [sflag:s4], $0x0  }
0x19: {  	s7 =	sld [smem:$0x3F97]  }
0x1a: {  	s8 =	sadd.s32 $0xFFFFE003, lr  }
0x1b: {  	s9 =	sadd.s32 $0xFFFFFEF7, lr;
	s5 =	simm.s32 $0xFFFFFFFF;
	p2 =	slt.u32 s8, $0xFFFFF086  }
0x1c: {  	p1 =	slt.u32 s9, $0xF7A;
	s5 =	simm.s32 @!p2 $0x0  }
0x1d: {  	s5 =	simm.s32 @p1 $0x1;
	p0 =	seq.s32 s7, s2  }
0x1e: {  	s7 =	smul.u32 @!p0 $0xF7A, s2;
	p2 =	seq.s32 @!p0 s5, $0x0  }
0x1f: {  	s9 =	smul.u32 $0xF7A, s1;
	s8 =	simm.s32 @!p0 $0x1BF5;
	p2 =	por !p2, p0  }
0x20: {  	[sflag:s8] =	ssyncset.s32 @!p0 $0xFFFFF086;
	s6 =	sadd.s32 @!p0 s3, s7;
	s7 =	simm.s32 @!p0 $0x108  }
0x21: {  	s3 =	sadd.s32 s3, s9;
	s6 =	sadd.s32 @!p0 $0x88, s6;
	s7 =	simm.s32 @p2 $0x1082  }
0x22: {  	[simem:s7], [sflag:s8] =	dma.local @!p0 [hbm:s6], $0xF7A  }
0x23: {  	s9 =	sor.u32 $0xD0000000, s2;
	s6 =	simm.s32 $0x108;
	_ =	swait.ge @!p0 [sflag:s8], $0x0  }
0x24: {  	s3 =	sadd.s32 $0x88, s3;
	s6 =	simm.s32 @!p1 $0x1082;
	[sflag:s4] =	ssyncset.s32 $0xFFFFF086  }
0x25: {  	[simem:s6], [sflag:s4] =	dma.local [hbm:s3], $0xF7A  }
0x26: {  	[smem:$0x3F97] =	sst s1;
	(tag) =	ssettag s2;
	_ =	strace s9  }
0x27: {  	s1 =	sld [smem:$0x3FA7]  }
0x28: {  	s2 =	sld [smem:$0x3FA8]  }
0x29: {  	s4 =	sld [smem:$0x3FAA]  }
0x2a: {  	p0 =	seq.s32 s5, $0x0;
	s5 =	sld [smem:$0x3FAB]  }
0x2b: {  	s6 =	sld [smem:$0x3FAC]  }
0x2c: {  	s7 =	sld [smem:$0x3FAD]  }
0x2d: {  	s3 =	simm.s32 $0x108;
	s8 =	sld [smem:$0x3FAE]  }
0x2e: {  	s3 =	simm.s32 @!p0 $0x1082;
	s9 =	sld [smem:$0x3FAF]  }
0x2f: {  	lr =	sadd.s32 s0, s3;
	s0 =	sld [smem:$0x3FA6]  }
0x30: {  	s3 =	sld [smem:$0x3FA9]  }
0x31: {  	[smem:$0x3FB2] =	sst s10  }
0x32: {  	s10 =	sld [smem:$0x3FB0];
	_ =	sdelay $0x3  }
0x33: {  	p0 =	seq.s32 s10, $0x1;
	s10 =	sld [smem:$0x3FB2];
	_ =	sdelay $0x3  }
0x34: {  	[smem:$0x3FB2] =	sst s10  }
0x35: {  	s10 =	sld [smem:$0x3FB1];
	_ =	sdelay $0x3  }
0x36: {  	p1 =	seq.s32 s10, $0x1;
	s10 =	sld [smem:$0x3FB2];
	_ =	sdelay $0x3  }
0x37: {  	[smem:$0x3FB2] =	sst s10  }
0x38: {  	s10 =	sld [smem:$0x3FB3]  }
0x39: {  	_ = 	snop;
	(pc) =	sbr.ind lr, $3  }
0x3a: {  	_ = 	snop  }
0x3b: {  	_ = 	snop  }
0x3c: {  	p2 =	seq.s32 s10, $0x1;
	s10 =	sld [smem:$0x3FB2]  }
0x3d: {  	_ =	shalt  }
0x3e: {  	_ =	shalt  }
0x3f: {  	_ =	shalt  }
0x40: {  	_ =	shalt  }
0x41: {  	_ =	shalt  }
0x42: {  	_ =	shalt  }
0x43: {  	_ =	shalt  }
0x44: {  	_ =	shalt  }
0x45: {  	_ =	shalt  }
0x46: {  	_ =	shalt  }
0x47: {  	_ =	shalt  }
0x48: {  	_ =	shalt  }
0x49: {  	_ =	shalt  }
0x4a: {  	_ =	shalt  }
0x4b: {  	_ =	shalt  }
0x4c: {  	_ =	shalt  }
0x4d: {  	_ =	shalt  }
0x4e: {  	_ =	shalt  }
0x4f: {  	_ =	shalt  }
0x50: {  	_ =	shalt  }
0x51: {  	_ =	shalt  }
0x52: {  	_ =	shalt  }
0x53: {  	_ =	shalt  }
0x54: {  	_ =	shalt  }
0x55: {  	_ =	shalt  }
0x56: {  	_ =	shalt  }
0x57: {  	_ =	shalt  }
0x58: {  	_ =	shalt  }
0x59: {  	_ =	shalt  }
0x5a: {  	_ =	shalt  }
0x5b: {  	_ =	shalt  }
0x5c: {  	_ =	shalt  }
0x5d: {  	_ =	shalt  }
0x5e: {  	_ =	shalt  }
0x5f: {  	_ =	shalt  }
0x60: {  	_ =	shalt  }
0x61: {  	_ =	shalt  }
0x62: {  	_ =	shalt  }
0x63: {  	_ =	shalt  }
0x64: {  	_ =	shalt  }
0x65: {  	_ =	shalt  }
0x66: {  	_ =	shalt  }
0x67: {  	_ =	shalt  }
0x68: {  	_ =	shalt  }
0x69: {  	_ =	shalt  }
0x6a: {  	_ =	shalt  }
0x6b: {  	_ =	shalt  }
0x6c: {  	_ =	shalt  }
0x6d: {  	_ =	shalt  }
0x6e: {  	_ =	shalt  }
0x6f: {  	_ =	shalt  }
0x70: {  	_ =	shalt  }
0x71: {  	_ =	shalt  }
0x72: {  	_ =	shalt  }
0x73: {  	_ =	shalt  }
0x74: {  	_ =	shalt  }
0x75: {  	_ =	shalt  }
0x76: {  	_ =	shalt  }
0x77: {  	_ =	shalt  }
0x78: {  	_ =	shalt  }
0x79: {  	_ =	shalt  }
0x7a: {  	_ =	shalt  }
0x7b: {  	_ =	shalt  }
0x7c: {  	_ =	shalt  }
0x7d: {  	_ =	shalt  }
0x7e: {  	_ =	shalt  }
0x7f: {  	_ =	shalt  }
0x80: {  	_ =	shalt  }
0x81: {  	_ =	shalt  }
0x82: {  	_ =	shalt  }
0x83: {  	_ =	shalt  }
0x84: {  	_ =	shalt  }
0x85: {  	_ =	shalt  }
0x86: {  	_ =	shalt  }
0x87: {  	_ =	shalt  }
.Lfunc_end0:
.L_simem_size_0:
called_computation.2_lowered:
.L_overlay_start_0:
0x88: {  	s2 =	sld [smem:$0x3FD9]  }
0x89: {  	s3 =	sld [smem:$0x3FFE];
	_ =	sdelay $0x1  }
0x8a: {  	s1 =	srdreg.scid  }
0x8b: {  	s0 =	sand.u32 $0x1, s1  }
0x8c: {  	s17 =	sshll.u32 s0, $0xA;
	s2 =	sadd.s32 s3, s2  }
0x8d: {  	s2 =	sadd.s32 s2, s17  }
0x8e: {  	[smem:$0x3FBE] =	sst s2  }
0x8f: {  	_ = 	snop  }
0x90: {  	s2 =	sld [smem:$0x3FD0];
	(tm) =	ssettm $0x1  }
0x91: {  	s18 =	sld [smem:$0x3FFB];
	_ =	sdelay $0x3  }
0x92: {  	_ =	strace s18  }
0x93: {  	s3 =	sld [smem:$0x3FFC];
	_ =	sdelay $0x3  }
0x94: {  	_ =	strace s3  }
0x95: {  	s3 =	sld [smem:$0x3FFD];
	_ =	sdelay $0x3  }
0x96: {  	_ =	strace s3  }
0x97: {  	_ =	strace $0x8FFFFFFF  }
0x98: {  	s19 =	sld [smem:$0x3FDB];
	_ =	sdelay $0x1  }
0x99: {  	s4 =	simm.s32 $_scs_section_size  }
0x9a: {  	s5 =	simm.s32 $_size__tile_overlayer_lowered;
	s6 =	simm.s32 $_tile_overlayer_lowered  }
0x9b: {  	s22 =	simm.s32 $0x1BFF;
	s21 =	sshll.u32 s6, $0x1;
	s3 =	sadd.s32 s4, s19  }
0x9c: {  	s7 =	simm.s32 $0x0;
	s20 =	sshll.u32 s5, $0x1;
	s5 =	sadd.s32 s21, s3  }
0x9d: {  	[timem:s7], [sflag:s22] =	dma.local [hbm:s5], s20  }
0x9e: {  	_ =	swait.ge [sflag:s22], s20  }
0x9f: {  	s4 =	ssub.s32 $0x0, s20;
	[sflag:s22] =	ssyncset.done $0x0  }
0xa0: {  	[sflag:s22] =	ssyncadd.s32 s4;
	_ =	sdelay $0x1  }
0xa1: {  	s23 =	simm.s32 $0x1B8B  }
0xa2: {  	_ =	swait.ge [sflag:s23], $0x1  }
0xa3: {  	[sflag:s23] =	ssyncset.done $0x0  }
0xa4: {  	s25 =	simm.s32 $0x1B8E;
	s24 =	sld [smem:$0x3FFE];
	[sflag:s23] =	ssyncadd.s32 $0xFFFFFFFF  }
0xa5: {  	s26 =	simm.s32 $execute0_lowered;
	[smem:$0x3FD2] =	sst s25  }
0xa6: {  	s5 =	sshll.u32 s26, $0x1;
	_ =	strace $0x8000004C;
	[dreg:$0x1] =	wrdreg $0xFFFFFFFF  }
0xa7: {  	s28 =	simm.s32 $_size_execute0_lowered;
	s3 =	sadd.s32 s3, s5;
	[dreg:$0x0] =	wrdreg $0x0  }
0xa8: {  	s5 =	sshll.u32 s28, $0x1;
	[dreg:$0x2] =	wrdreg s3  }
0xa9: {  	[dreg:$0x3] =	wrdreg s5  }
0xaa: {  	[dreg:$0x4] =	wrdreg $0xC0  }
0xab: {  	_ =	task [dreg:s7], $0x5FFFF  }
0xac: {  	[dreg:$0x1] =	wrdreg $0xFFFFFFFF  }
0xad: {  	[dreg:$0x0] =	wrdreg $0x60  }
0xae: {  	[dreg:$0x2] =	wrdreg s24  }
0xaf: {  	[dreg:$0x3] =	wrdreg s2  }
0xb0: {  	[dreg:$0x4] =	wrdreg $0xAA000  }
0xb1: {  	[dreg:$0x5] =	wrdreg $0x9  }
0xb2: {  	_ =	task.clear_ibuf [dreg:s7], $0x6FFFF;
	_ =	strace $0x9000004C  }
0xb3: {  	s29 =	simm.s32 $0x9;
	_ =	strace $0x8000004E  }
0xb4: {  	_ =	swait.ge [sflag:s29], $0x1  }
0xb5: {  	[sflag:s29] =	ssyncadd.s32 $0xFFFFFFFF  }
0xb6: {  	_ =	strace $0x9000004E  }
0xb7: {  	_ =	sfence  }
0xb8: {  	s30 =	sld [smem:$0x0];
	_ =	sdelay $0x2  }
0xb9: {  	s31 =	sshll.u32 s1, $0xD;
	s1 =	sshrl.u32 s1, $0x2  }
0xba: {  	s3 =	sand.u32 $0x4000, s31;
	s1 =	sadd.s32 s1, s30  }
0xbb: {  	s0 =	sor.u32 s3, s0;
	s1 =	sshll.u32 s1, $0x11  }
0xbc: {  	s0 =	sor.u32 s1, s0  }
0xbd: {  	s0 =	sadd.s32 $0x8F2B, s0  }
0xbe: {  	[sflag:s0] =	ssyncadd.remote.s32 $0x1  }
0xbf: {  	_ =	sfence.sel $0xFFFF  }
0xc0: {  	[dreg:$0x0] =	wrdreg $0xFFFFFFFF;
	(pc) =	sbr.abs _section_cstart, $3  }
0xc1: {  	[dreg:$0x1] =	wrdreg $0xFFFFFFFF  }
0xc2: {  	_ =	task.clear_ibuf [dreg:s7], $0x2FFFF;
	_ =	strace $0x9FFFFFFF  }
0xc3: {  	(tm) =	ssettm $0x7FFFFFFF  }
tec
execute0_lowered:
.L_overlay_start_1:
0x0: {  	(tag) =	ssettag $0x1  }
0x1: {  	s5 =	rddreg [dreg:$0x0]  }
0x2: {  	s6 =	rddreg [dreg:$0x1]  }
0x3: {  	s2 =	rddreg [dreg:$0x2]  }
0x4: {  	s0 =	rddreg [dreg:$0x3]  }
0x5: {  	s1 =	stileid.u32;
	s4 =	srdreg.scid  }
0x6: {  	s3 =	simm.s32 $0x0;
	s13 =	simm.s32 $0x2800;
	s14 =	simm.s32 $0x2A00  }
0x7: {  	s15 =	simm.s32 $0x1;
	s16 =	simm.s32 $0x2900;
	s17 =	simm.s32 $0x6A00  }
0x8: {  	s18 =	simm.s32 $0x2880;
	s19 =	simm.s32 $0x2;
	s20 =	simm.s32 $0x2980  }
0x9: {  	s21 =	simm.s32 $0x3;
	s22 =	simm.s32 $0x4;
	s23 =	simm.s32 $0x0  }
0xa: {  	s7 =	smul.u32 $0x13C00, s1;
	s8 =	sand.u32 $0x1, s4;
	[smem:$0x7FF] =	sst s3  }
0xb: {  	s4 =	sadd.s32 $0x2600, s5;
	s28 =	sshll.u32 s1, $0x1;
	s29 =	smul.u32 $0x4F000, s1  }
0xc: {  	s31 =	sshll.u32 s1, $0x6;
	s9 =	smul.u32 $0x13C000, s8;
	_ =	strace $0x8000004D  }
0xd: {  	s11 =	ssub.s32 $0x2, s8;
	s8 =	sor.u32 s8, s28;
	s10 =	sshrl.u32 s7, $0x3  }
0xe: {  	s12 =	sshrl.u32 s11, $0x1;
	s8 =	smul.u32 $0x500, s8;
	s10 =	sadd.s32 s10, s5  }
.Ltmp0:
0xf: {  	s7 =	sadd.s32 s7, s9;
	s11 =	ssub.s32 s11, s12;
	(pc) =	sbr.rel .LBB2_1-.Ltmp0, $4  }
0x10: {  	s9 =	sshrl.u32 s29, $0x2;
	s12 =	simm.s32 $0x80;
	s7 =	sshrl.u32 s7, $0x3  }
0x11: {  	s30 =	sadd.s32 s9, s2;
	s9 =	simm.s32 $0x5;
	s7 =	sadd.s32 s7, s5  }
0x12: {  	s5 =	sadd.s32 s6, s8;
	s6 =	sadd.s32 $0x29E00, s10;
	s8 =	smax.u32 s11, $0x1  }
0x13: {  	s10 =	sor.u32 $0x1C05, s31;
	s11 =	sshrl.u32 s30, $0x3;
	s7 =	sadd.s32 $0x51600, s7  }
.LBB2_4:
0x14: {  	[spmem:s2] =	stream.indirect.scatter.add.f32 [tilespmem:s17], [sflag:$0x4], $0x80, s20, s12, $0xb8;
	[tilespmem:$0x1E600] =	vst v63  }
0x15: {  	_ =	swait.ge [sflag:s21], $0x4000  }
0x16: {  	[sflag:s21] =	ssyncset.done $0x0  }
0x17: {  	[sflag:s21] =	ssyncadd.s32 $0xFFFFC000  }
0x18: {  	_ =	swait.ge [sflag:s22], $0x4000  }
0x19: {  	s23 =	sadd.s32 $0x1, s23;
	[sflag:s22] =	ssyncset.done $0x0  }
0x1a: {  	p0 =	sne.s32 s23, s8;
	[sflag:s22] =	ssyncadd.s32 $0xFFFFC000  }
.Ltmp1:
0x1b: {  	[bflag:$0x0] =	sbarrier.arrive $0xFFFF;
	(pc) =	sbr.rel @!p0 .LBB2_5-.Ltmp1, $4  }
0x1c: {  	[hbm:s7], [sflag:s10] =	dma.local [spmem:s11], $0x2780  }
0x1d: {  	_ =	swait.ge [sflag:s9], $0x2780  }
0x1e: {  	[sflag:s9] =	ssyncset.done $0x0  }
0x1f: {  	[sflag:s9] =	ssyncadd.s32 $0xFFFFD880  }
.LBB2_1:
0x20: {  	[tilespmem:s3], [sflag:$0x5] =	stream.linear.gather [hbm4b:s5+s3], $0x2800, $0x38;
	[tilespmem:$0x1E600] =	vst v63  }
0x21: {  	_ =	swait.ge [sflag:s9], $0x2800  }
0x22: {  	[sflag:s9] =	ssyncset.done $0x0  }
0x23: {  	[sflag:s9] =	ssyncadd.s32 $0xFFFFD800  }
0x24: {  	[spmem:s11], [sflag:s10] =	dma.local [hbm:s6], $0x2780  }
0x25: {  	_ =	swait.ge [sflag:s9], $0x2780  }
0x26: {  	[sflag:s9] =	ssyncset.done $0x0  }
0x27: {  	[sflag:s9] =	ssyncadd.s32 $0xFFFFD880  }
0x28: {  	[bflag:$0x0] =	sbarrier.arrive $0xFFFF  }
0x29: {  	v0 =	vld [tilespmem:$0x0];
	_ =	sdelay $0x1  }
0x2a: {  	v1 =	vld [tilespmem:$0x10];
	_ =	sdelay $0x1  }
0x2b: {  	v2 =	vld [tilespmem:$0x20]  }
0x2c: {  	v3 =	vand.u32 $0xFFFF, v0  }
0x2d: {  	v45 =	vld [tilespmem:$0x30];
	v0 =	vshrl.u32 v0, $0x10;
	[tilespmem:$0x2800] =	vst v3  }
0x2e: {  	v46 =	vand.u32 $0xFFFF, v1;
	[tilespmem:$0x2880] =	vst v0  }
0x2f: {  	v48 =	vld [tilespmem:$0x40];
	v47 =	vshrl.u32 v1, $0x10;
	[tilespmem:$0x2810] =	vst v46  }
0x30: {  	v49 =	vand.u32 $0xFFFF, v2;
	[tilespmem:$0x2890] =	vst v47  }
0x31: {  	v51 =	vld [tilespmem:$0x50];
	v50 =	vshrl.u32 v2, $0x10;
	[tilespmem:$0x2820] =	vst v49  }
0x32: {  	v52 =	vand.u32 $0xFFFF, v45;
	[tilespmem:$0x28A0] =	vst v50  }
0x33: {  	v54 =	vld [tilespmem:$0x60];
	v53 =	vshrl.u32 v45, $0x10;
	[tilespmem:$0x2830] =	vst v52  }
0x34: {  	v55 =	vand.u32 $0xFFFF, v48;
	[tilespmem:$0x28B0] =	vst v53  }
0x35: {  	v57 =	vld [tilespmem:$0x70];
	v56 =	vshrl.u32 v48, $0x10;
	[tilespmem:$0x2840] =	vst v55  }
0x36: {  	v58 =	vand.u32 $0xFFFF, v51;
	[tilespmem:$0x28C0] =	vst v56  }
0x37: {  	v59 =	vshrl.u32 v51, $0x10;
	[tilespmem:$0x2850] =	vst v58  }
0x38: {  	v60 =	vand.u32 $0xFFFF, v54;
	[tilespmem:$0x28D0] =	vst v59  }
0x39: {  	v61 =	vshrl.u32 v54, $0x10;
	[tilespmem:$0x2860] =	vst v60  }
0x3a: {  	v62 =	vand.u32 $0xFFFF, v57;
	[tilespmem:$0x28E0] =	vst v61  }
0x3b: {  	v63 =	vshrl.u32 v57, $0x10;
	[tilespmem:$0x2870] =	vst v62  }
0x3c: {  	s24 =	simm.s32 $0x0;
	[tilespmem:$0x28F0] =	vst v63  }
0x3d: {  	[tilespmem:s14], [sflag:$0x1] =	stream.indirect.gather [hbm4b:s4+s12], $0x80, s13, s12, $0xb8;
	[tilespmem:$0x1E600] =	vst v63  }
.LBB2_2:
0x3e: {  	_ =	swait.ge [sflag:s15], $0x4000  }
0x3f: {  	p0 =	seq.s32 s24, $0x0;
	[sflag:s15] =	ssyncset.done $0x0  }
0x40: {  	s25 =	simm.s32 @!p0 $0x4;
	[sflag:s15] =	ssyncadd.s32 $0xFFFFC000  }
0x41: {  	_ =	swait.ge @!p0 [sflag:s25], $0x4000  }
0x42: {  	[sflag:s25] =	ssyncset.done @!p0 $0x0  }
0x43: {  	[sflag:s25] =	ssyncadd.s32 @!p0 $0xFFFFC000;
	s25 =	sshra.s32 s24, $0x2  }
0x44: {  	v0 =	vld [tilespmem:s25+$0x80];
	_ =	sdelay $0x4  }
0x45: {  	v1 =	vand.u32 $0xFFFF, v0  }
0x46: {  	v0 =	vshrl.u32 v0, $0x10;
	[tilespmem:$0x2900] =	vst v1  }
0x47: {  	[tilespmem:$0x2980] =	vst v0  }
0x48: {  	v0 =	vld [tilespmem:s25+$0x90];
	_ =	sdelay $0x4  }
0x49: {  	v57 =	vand.u32 $0xFFFF, v0  }
0x4a: {  	v0 =	vshrl.u32 v0, $0x10;
	[tilespmem:$0x2910] =	vst v57  }
0x4b: {  	[tilespmem:$0x2990] =	vst v0  }
0x4c: {  	v0 =	vld [tilespmem:s25+$0xA0];
	_ =	sdelay $0x4  }
0x4d: {  	v58 =	vand.u32 $0xFFFF, v0  }
0x4e: {  	v0 =	vshrl.u32 v0, $0x10;
	[tilespmem:$0x2920] =	vst v58  }
0x4f: {  	[tilespmem:$0x29A0] =	vst v0  }
0x50: {  	v0 =	vld [tilespmem:s25+$0xB0];
	_ =	sdelay $0x4  }
0x51: {  	v59 =	vand.u32 $0xFFFF, v0  }
0x52: {  	v0 =	vshrl.u32 v0, $0x10;
	[tilespmem:$0x2930] =	vst v59  }
0x53: {  	[tilespmem:$0x29B0] =	vst v0  }
0x54: {  	v0 =	vld [tilespmem:s25+$0xC0];
	_ =	sdelay $0x4  }
0x55: {  	v60 =	vand.u32 $0xFFFF, v0  }
0x56: {  	v0 =	vshrl.u32 v0, $0x10;
	[tilespmem:$0x2940] =	vst v60  }
0x57: {  	[tilespmem:$0x29C0] =	vst v0  }
0x58: {  	v0 =	vld [tilespmem:s25+$0xD0];
	_ =	sdelay $0x4  }
0x59: {  	v61 =	vand.u32 $0xFFFF, v0  }
0x5a: {  	v0 =	vshrl.u32 v0, $0x10;
	[tilespmem:$0x2950] =	vst v61  }
0x5b: {  	[tilespmem:$0x29D0] =	vst v0  }
0x5c: {  	v0 =	vld [tilespmem:s25+$0xE0];
	_ =	sdelay $0x4  }
0x5d: {  	v62 =	vand.u32 $0xFFFF, v0  }
0x5e: {  	v0 =	vshrl.u32 v0, $0x10;
	[tilespmem:$0x2960] =	vst v62  }
0x5f: {  	[tilespmem:$0x29E0] =	vst v0  }
0x60: {  	v0 =	vld [tilespmem:s25+$0xF0];
	_ =	sdelay $0x4  }
0x61: {  	v63 =	vand.u32 $0xFFFF, v0  }
0x62: {  	v0 =	vshrl.u32 v0, $0x10;
	[tilespmem:$0x2970] =	vst v63  }
0x63: {  	p0 =	seq.s32 s24, $0x9C00;
	[tilespmem:$0x29F0] =	vst v0  }
0x64: {  	[tilespmem:s17], [sflag:$0x2] =	stream.indirect.gather [hbm4b:s4+s12], $0x80, s16, s12, $0xb8;
	[tilespmem:$0x1E600] =	vst v63  }
.Ltmp2:
0x65: {  	_ = 	snop;
	(pc) =	sbr.rel @p0 .LBB2_4-.Ltmp2, $4  }
0x66: {  	[spmem:s2] =	stream.indirect.scatter.add.f32 [tilespmem:s14], [sflag:$0x3], $0x80, s18, s12, $0xb8;
	[tilespmem:$0x1E600] =	vst v63  }
0x67: {  	_ =	swait.ge [sflag:s19], $0x4000  }
0x68: {  	[sflag:s19] =	ssyncset.done $0x0  }
0x69: {  	[sflag:s19] =	ssyncadd.s32 $0xFFFFC000  }
0x6a: {  	_ =	swait.ge [sflag:s21], $0x4000  }
0x6b: {  	[sflag:s21] =	ssyncset.done $0x0  }
0x6c: {  	[sflag:s21] =	ssyncadd.s32 $0xFFFFC000  }
0x6d: {  	v0 =	vld [tilespmem:s25+$0x100];
	_ =	sdelay $0x4  }
0x6e: {  	v1 =	vand.u32 $0xFFFF, v0  }
0x6f: {  	v0 =	vshrl.u32 v0, $0x10;
	[tilespmem:$0x2800] =	vst v1  }
0x70: {  	[tilespmem:$0x2880] =	vst v0  }
0x71: {  	v0 =	vld [tilespmem:s25+$0x110];
	_ =	sdelay $0x4  }
0x72: {  	v57 =	vand.u32 $0xFFFF, v0  }
0x73: {  	v0 =	vshrl.u32 v0, $0x10;
	[tilespmem:$0x2810] =	vst v57  }
0x74: {  	[tilespmem:$0x2890] =	vst v0  }
0x75: {  	v0 =	vld [tilespmem:s25+$0x120];
	_ =	sdelay $0x4  }
0x76: {  	v58 =	vand.u32 $0xFFFF, v0  }
0x77: {  	v0 =	vshrl.u32 v0, $0x10;
	[tilespmem:$0x2820] =	vst v58  }
0x78: {  	[tilespmem:$0x28A0] =	vst v0  }
0x79: {  	v0 =	vld [tilespmem:s25+$0x130];
	_ =	sdelay $0x4  }
0x7a: {  	v59 =	vand.u32 $0xFFFF, v0  }
0x7b: {  	v0 =	vshrl.u32 v0, $0x10;
	[tilespmem:$0x2830] =	vst v59  }
0x7c: {  	[tilespmem:$0x28B0] =	vst v0  }
0x7d: {  	v0 =	vld [tilespmem:s25+$0x140];
	_ =	sdelay $0x4  }
0x7e: {  	v60 =	vand.u32 $0xFFFF, v0  }
0x7f: {  	v0 =	vshrl.u32 v0, $0x10;
	[tilespmem:$0x2840] =	vst v60  }
0x80: {  	[tilespmem:$0x28C0] =	vst v0  }
0x81: {  	v0 =	vld [tilespmem:s25+$0x150];
	_ =	sdelay $0x4  }
0x82: {  	v61 =	vand.u32 $0xFFFF, v0  }
0x83: {  	v0 =	vshrl.u32 v0, $0x10;
	[tilespmem:$0x2850] =	vst v61  }
0x84: {  	[tilespmem:$0x28D0] =	vst v0  }
0x85: {  	v0 =	vld [tilespmem:s25+$0x160];
	_ =	sdelay $0x4  }
0x86: {  	v62 =	vand.u32 $0xFFFF, v0  }
0x87: {  	v0 =	vshrl.u32 v0, $0x10;
	[tilespmem:$0x2860] =	vst v62  }
0x88: {  	[tilespmem:$0x28E0] =	vst v0  }
0x89: {  	v0 =	vld [tilespmem:s25+$0x170];
	_ =	sdelay $0x4  }
0x8a: {  	v63 =	vand.u32 $0xFFFF, v0  }
.Ltmp3:
0x8b: {  	v0 =	vshrl.u32 v0, $0x10;
	[tilespmem:$0x2870] =	vst v63;
	(pc) =	sbr.rel .LBB2_2-.Ltmp3, $4  }
0x8c: {  	[tilespmem:$0x28F0] =	vst v0  }
0x8d: {  	[tilespmem:s14], [sflag:$0x1] =	stream.indirect.gather [hbm4b:s4+s12], $0x80, s13, s12, $0xb8;
	[tilespmem:$0x1E600] =	vst v63  }
0x8e: {  	s24 =	sadd.s32 $0x400, s24  }
0x8f: {  	[spmem:s2] =	stream.indirect.scatter.add.f32 [tilespmem:s17], [sflag:$0x4], $0x80, s20, s12, $0xb8;
	[tilespmem:$0x1E600] =	vst v63  }
.LBB2_5:
0x90: {  	_ =	sfence.sel $0x180000  }
0x91: {  	[bflag:$0x0] =	sbarrier.arrive $0xFFFF  }
0x92: {  	p0 =	sne.s32 s1, $0x0;
	_ =	strace $0x9000004D  }
0x93: {  	s0 =	sadd.s32 @!p0 $0x100000, s0;
	[bflag:$0x2] =	sbarrier.arrive $0xFFFF  }
0x94: {  	[sflag:s0] =	ssyncadd.tile.s32 @!p0 $0x1;
	_ =	shalt  }
.Lfunc_end2:
_tile_overlayer_lowered:
.L_overlay_start_2:
0x95: {  	(tag) =	ssettag $0x2  }
0x96: {  	s0 =	rddreg [dreg:$0x0];
	s2 =	stileid.u32  }
0x97: {  	s1 =	rddreg [dreg:$0x1];
	p0 =	sne.s32 s2, $0x0  }
0x98: {  	s3 =	rddreg [dreg:$0x2];
	[bflag:$0x3] =	sbarrier.arrive $0xFFFF;
	s2 =	simm.s32 @!p0 $0x1C05  }
0x99: {  	[timem:s3], [sflag:s2] =	dma.local @!p0 [hbm:s0], s1  }
0x9a: {  	s0 =	simm.s32 @!p0 $0x5  }
0x9b: {  	_ =	swait.ge @!p0 [sflag:s0], s1  }
0x9c: {  	s1 =	ssub.s32 @!p0 $0x0, s1;
	[sflag:s0] =	ssyncset.done @!p0 $0x0  }
0x9d: {  	[sflag:s0] =	ssyncadd.s32 @!p0 s1  }
0x9e: {  	[bflag:$0x3] =	sbarrier.arrive $0xFFFF  }
0x9f: {  	_ =	shalt  }

// kernel: kernel.8.cloned.1.call-start
scs
__scs_entry_jumppad:
0x0: {  	(pc) =	sbr.rel $0x88, $3  }
0x1: {  	(tag) =	ssettag $0x0;
	lr =	simm.s32 $0x1  }
0x2: {  	[smem:$0x3F97] =	sst lr;
	_ =	strace $0xD0000000  }
0x3: {  	_ = 	snop  }
0x4: {  	_ = 	snop  }
0x5: {  	_ = 	snop  }
0x6: {  	_ = 	snop  }
0x7: {  	_ = 	snop  }
__scs_overlays_trampoline_lowered:
0x8: {  	[smem:$0x3FA6] =	sst s0  }
0x9: {  	[smem:$0x3FA7] =	sst s1  }
0xa: {  	[smem:$0x3FA8] =	sst s2  }
0xb: {  	[smem:$0x3FA9] =	sst s3  }
0xc: {  	[smem:$0x3FAA] =	sst s4  }
0xd: {  	[smem:$0x3FAB] =	sst s5  }
0xe: {  	[smem:$0x3FAC] =	sst s6  }
0xf: {  	[smem:$0x3FAD] =	sst s7  }
0x10: {  	[smem:$0x3FAE] =	sst s8  }
0x11: {  	[smem:$0x3FAF] =	sst s9;
	s0 =	simm.s32 @!p0 $0x0  }
0x12: {  	s1 =	sld [smem:$0x3F95];
	s0 =	simm.s32 @p0 $0x1  }
0x13: {  	[smem:$0x3FB0] =	sst s0;
	s0 =	simm.s32 @!p1 $0x0  }
0x14: {  	s2 =	sld [smem:$0x3F94];
	s0 =	simm.s32 @p1 $0x1  }
0x15: {  	[smem:$0x3FB1] =	sst s0;
	s0 =	simm.s32 @!p2 $0x0  }
0x16: {  	s3 =	sld [smem:$0x3FDB];
	s0 =	simm.s32 @p2 $0x1  }
0x17: {  	s4 =	simm.s32 $0x1BF5;
	[smem:$0x3FB3] =	sst s0  }
0x18: {  	s0 =	sld [smem:$0x3F96];
	_ =	swait.ge [sflag:s4], $0x0  }
0x19: {  	s7 =	sld [smem:$0x3F97]  }
0x1a: {  	s8 =	sadd.s32 $0xFFFFE003, lr  }
0x1b: {  	s9 =	sadd.s32 $0xFFFFFEF7, lr;
	s5 =	simm.s32 $0xFFFFFFFF;
	p2 =	slt.u32 s8, $0xFFFFF086  }
0x1c: {  	p1 =	slt.u32 s9, $0xF7A;
	s5 =	simm.s32 @!p2 $0x0  }
0x1d: {  	s5 =	simm.s32 @p1 $0x1;
	p0 =	seq.s32 s7, s2  }
0x1e: {  	s7 =	smul.u32 @!p0 $0xF7A, s2;
	p2 =	seq.s32 @!p0 s5, $0x0  }
0x1f: {  	s9 =	smul.u32 $0xF7A, s1;
	s8 =	simm.s32 @!p0 $0x1BF5;
	p2 =	por !p2, p0  }
0x20: {  	[sflag:s8] =	ssyncset.s32 @!p0 $0xFFFFF086;
	s6 =	sadd.s32 @!p0 s3, s7;
	s7 =	simm.s32 @!p0 $0x108  }
0x21: {  	s3 =	sadd.s32 s3, s9;
	s6 =	sadd.s32 @!p0 $0x88, s6;
	s7 =	simm.s32 @p2 $0x1082  }
0x22: {  	[simem:s7], [sflag:s8] =	dma.local @!p0 [hbm:s6], $0xF7A  }
0x23: {  	s9 =	sor.u32 $0xD0000000, s2;
	s6 =	simm.s32 $0x108;
	_ =	swait.ge @!p0 [sflag:s8], $0x0  }
0x24: {  	s3 =	sadd.s32 $0x88, s3;
	s6 =	simm.s32 @!p1 $0x1082;
	[sflag:s4] =	ssyncset.s32 $0xFFFFF086  }
0x25: {  	[simem:s6], [sflag:s4] =	dma.local [hbm:s3], $0xF7A  }
0x26: {  	[smem:$0x3F97] =	sst s1;
	(tag) =	ssettag s2;
	_ =	strace s9  }
0x27: {  	s1 =	sld [smem:$0x3FA7]  }
0x28: {  	s2 =	sld [smem:$0x3FA8]  }
0x29: {  	s4 =	sld [smem:$0x3FAA]  }
0x2a: {  	p0 =	seq.s32 s5, $0x0;
	s5 =	sld [smem:$0x3FAB]  }
0x2b: {  	s6 =	sld [smem:$0x3FAC]  }
0x2c: {  	s7 =	sld [smem:$0x3FAD]  }
0x2d: {  	s3 =	simm.s32 $0x108;
	s8 =	sld [smem:$0x3FAE]  }
0x2e: {  	s3 =	simm.s32 @!p0 $0x1082;
	s9 =	sld [smem:$0x3FAF]  }
0x2f: {  	lr =	sadd.s32 s0, s3;
	s0 =	sld [smem:$0x3FA6]  }
0x30: {  	s3 =	sld [smem:$0x3FA9]  }
0x31: {  	[smem:$0x3FB2] =	sst s10  }
0x32: {  	s10 =	sld [smem:$0x3FB0];
	_ =	sdelay $0x3  }
0x33: {  	p0 =	seq.s32 s10, $0x1;
	s10 =	sld [smem:$0x3FB2];
	_ =	sdelay $0x3  }
0x34: {  	[smem:$0x3FB2] =	sst s10  }
0x35: {  	s10 =	sld [smem:$0x3FB1];
	_ =	sdelay $0x3  }
0x36: {  	p1 =	seq.s32 s10, $0x1;
	s10 =	sld [smem:$0x3FB2];
	_ =	sdelay $0x3  }
0x37: {  	[smem:$0x3FB2] =	sst s10  }
0x38: {  	s10 =	sld [smem:$0x3FB3]  }
0x39: {  	_ = 	snop;
	(pc) =	sbr.ind lr, $3  }
0x3a: {  	_ = 	snop  }
0x3b: {  	_ = 	snop  }
0x3c: {  	p2 =	seq.s32 s10, $0x1;
	s10 =	sld [smem:$0x3FB2]  }
0x3d: {  	_ =	shalt  }
0x3e: {  	_ =	shalt  }
0x3f: {  	_ =	shalt  }
0x40: {  	_ =	shalt  }
0x41: {  	_ =	shalt  }
0x42: {  	_ =	shalt  }
0x43: {  	_ =	shalt  }
0x44: {  	_ =	shalt  }
0x45: {  	_ =	shalt  }
0x46: {  	_ =	shalt  }
0x47: {  	_ =	shalt  }
0x48: {  	_ =	shalt  }
0x49: {  	_ =	shalt  }
0x4a: {  	_ =	shalt  }
0x4b: {  	_ =	shalt  }
0x4c: {  	_ =	shalt  }
0x4d: {  	_ =	shalt  }
0x4e: {  	_ =	shalt  }
0x4f: {  	_ =	shalt  }
0x50: {  	_ =	shalt  }
0x51: {  	_ =	shalt  }
0x52: {  	_ =	shalt  }
0x53: {  	_ =	shalt  }
0x54: {  	_ =	shalt  }
0x55: {  	_ =	shalt  }
0x56: {  	_ =	shalt  }
0x57: {  	_ =	shalt  }
0x58: {  	_ =	shalt  }
0x59: {  	_ =	shalt  }
0x5a: {  	_ =	shalt  }
0x5b: {  	_ =	shalt  }
0x5c: {  	_ =	shalt  }
0x5d: {  	_ =	shalt  }
0x5e: {  	_ =	shalt  }
0x5f: {  	_ =	shalt  }
0x60: {  	_ =	shalt  }
0x61: {  	_ =	shalt  }
0x62: {  	_ =	shalt  }
0x63: {  	_ =	shalt  }
0x64: {  	_ =	shalt  }
0x65: {  	_ =	shalt  }
0x66: {  	_ =	shalt  }
0x67: {  	_ =	shalt  }
0x68: {  	_ =	shalt  }
0x69: {  	_ =	shalt  }
0x6a: {  	_ =	shalt  }
0x6b: {  	_ =	shalt  }
0x6c: {  	_ =	shalt  }
0x6d: {  	_ =	shalt  }
0x6e: {  	_ =	shalt  }
0x6f: {  	_ =	shalt  }
0x70: {  	_ =	shalt  }
0x71: {  	_ =	shalt  }
0x72: {  	_ =	shalt  }
0x73: {  	_ =	shalt  }
0x74: {  	_ =	shalt  }
0x75: {  	_ =	shalt  }
0x76: {  	_ =	shalt  }
0x77: {  	_ =	shalt  }
0x78: {  	_ =	shalt  }
0x79: {  	_ =	shalt  }
0x7a: {  	_ =	shalt  }
0x7b: {  	_ =	shalt  }
0x7c: {  	_ =	shalt  }
0x7d: {  	_ =	shalt  }
0x7e: {  	_ =	shalt  }
0x7f: {  	_ =	shalt  }
0x80: {  	_ =	shalt  }
0x81: {  	_ =	shalt  }
0x82: {  	_ =	shalt  }
0x83: {  	_ =	shalt  }
0x84: {  	_ =	shalt  }
0x85: {  	_ =	shalt  }
0x86: {  	_ =	shalt  }
0x87: {  	_ =	shalt  }
.Lfunc_end0:
.L_simem_size_0:
called_computation_lowered:
.L_overlay_start_0:
0x88: {  	s2 =	sld [smem:$0x3FD9]  }
0x89: {  	s3 =	sld [smem:$0x3FFE];
	_ =	sdelay $0x1  }
0x8a: {  	s1 =	srdreg.scid  }
0x8b: {  	s0 =	sand.u32 $0x1, s1  }
0x8c: {  	s16 =	sshll.u32 s0, $0xA;
	s2 =	sadd.s32 s3, s2  }
0x8d: {  	s2 =	sadd.s32 s2, s16  }
0x8e: {  	[smem:$0x3FBE] =	sst s2  }
0x8f: {  	_ = 	snop  }
0x90: {  	(tm) =	ssettm $0x1  }
0x91: {  	s17 =	sld [smem:$0x3FFB];
	_ =	sdelay $0x3  }
0x92: {  	_ =	strace s17  }
0x93: {  	s2 =	sld [smem:$0x3FFC];
	_ =	sdelay $0x3  }
0x94: {  	_ =	strace s2  }
0x95: {  	s2 =	sld [smem:$0x3FFD];
	_ =	sdelay $0x3  }
0x96: {  	_ =	strace s2  }
0x97: {  	_ =	strace $0x8FFFFFFF  }
0x98: {  	s18 =	sld [smem:$0x3FDB];
	_ =	sdelay $0x1  }
0x99: {  	s19 =	simm.s32 $_scs_section_size  }
0x9a: {  	s4 =	simm.s32 $_size__tile_overlayer_lowered;
	s5 =	simm.s32 $_tile_overlayer_lowered  }
0x9b: {  	s22 =	simm.s32 $0x1BFF;
	s21 =	sshll.u32 s5, $0x1;
	s2 =	sadd.s32 s19, s18  }
0x9c: {  	s6 =	simm.s32 $0x0;
	s20 =	sshll.u32 s4, $0x1;
	s4 =	sadd.s32 s21, s2  }
0x9d: {  	[timem:s6], [sflag:s22] =	dma.local [hbm:s4], s20  }
0x9e: {  	_ =	swait.ge [sflag:s22], s20  }
0x9f: {  	s3 =	ssub.s32 $0x0, s20;
	[sflag:s22] =	ssyncset.done $0x0  }
0xa0: {  	[sflag:s22] =	ssyncadd.s32 s3;
	_ =	sdelay $0x1  }
0xa1: {  	s23 =	simm.s32 $0x1B8B  }
0xa2: {  	_ =	swait.ge [sflag:s23], $0x1  }
0xa3: {  	[sflag:s23] =	ssyncset.done $0x0  }
0xa4: {  	s25 =	simm.s32 $0x1B8E;
	s24 =	sld [smem:$0x3FFE];
	[sflag:s23] =	ssyncadd.s32 $0xFFFFFFFF  }
0xa5: {  	s26 =	simm.s32 $execute0_lowered;
	[smem:$0x3FD2] =	sst s25  }
0xa6: {  	s4 =	sshll.u32 s26, $0x1;
	_ =	strace $0x80000046;
	[dreg:$0x1] =	wrdreg $0xFFFFFFFF  }
0xa7: {  	s28 =	simm.s32 $_size_execute0_lowered;
	s2 =	sadd.s32 s2, s4;
	[dreg:$0x0] =	wrdreg $0x0  }
0xa8: {  	s4 =	sshll.u32 s28, $0x1;
	[dreg:$0x2] =	wrdreg s2  }
0xa9: {  	[dreg:$0x3] =	wrdreg s4  }
0xaa: {  	[dreg:$0x4] =	wrdreg $0xC0  }
0xab: {  	_ =	task [dreg:s6], $0x5FFFF  }
0xac: {  	[dreg:$0x1] =	wrdreg $0xFFFFFFFF  }
0xad: {  	[dreg:$0x0] =	wrdreg $0x60  }
0xae: {  	[dreg:$0x2] =	wrdreg s24  }
0xaf: {  	[dreg:$0x3] =	wrdreg $0x9  }
0xb0: {  	_ =	task.clear_ibuf [dreg:s6], $0x4FFFF;
	_ =	strace $0x90000046  }
0xb1: {  	s29 =	simm.s32 $0x9;
	_ =	strace $0x80000048  }
0xb2: {  	_ =	swait.ge [sflag:s29], $0x1  }
0xb3: {  	[sflag:s29] =	ssyncadd.s32 $0xFFFFFFFF  }
0xb4: {  	_ =	strace $0x90000048  }
0xb5: {  	_ =	sfence  }
0xb6: {  	s30 =	sld [smem:$0x0];
	_ =	sdelay $0x2  }
0xb7: {  	s31 =	sshll.u32 s1, $0xD;
	s1 =	sshrl.u32 s1, $0x2  }
0xb8: {  	s3 =	sand.u32 $0x4000, s31;
	s1 =	sadd.s32 s1, s30  }
0xb9: {  	s0 =	sor.u32 s3, s0;
	s1 =	sshll.u32 s1, $0x11  }
0xba: {  	s0 =	sor.u32 s1, s0  }
0xbb: {  	s0 =	sadd.s32 $0x8F2B, s0  }
0xbc: {  	[sflag:s0] =	ssyncadd.remote.s32 $0x1  }
0xbd: {  	_ =	sfence.sel $0xFFFF  }
0xbe: {  	[dreg:$0x0] =	wrdreg $0xFFFFFFFF;
	(pc) =	sbr.abs _section_cstart, $3  }
0xbf: {  	[dreg:$0x1] =	wrdreg $0xFFFFFFFF  }
0xc0: {  	_ =	task.clear_ibuf [dreg:s6], $0x2FFFF;
	_ =	strace $0x9FFFFFFF  }
0xc1: {  	(tm) =	ssettm $0x7FFFFFFF  }
tec
execute0_lowered:
.L_overlay_start_1:
0x0: {  	(tag) =	ssettag $0x1  }
0x1: {  	s1 =	srdreg.scid  }
0x2: {  	s0 =	stileid.u32;
	s4 =	rddreg [dreg:$0x0];
	s8 =	simm.s32 $0x1  }
0x3: {  	s9 =	simm.s32 $0x80;
	s10 =	simm.s32 $0x400;
	s11 =	simm.s32 $0x0  }
0x4: {  	s3 =	sand.u32 $0x1, s1;
	s2 =	sshll.u32 s0, $0x1;
	s1 =	rddreg [dreg:$0x1]  }
0x5: {  	s6 =	sshrl.u32 s0, $0x2;
	s5 =	sor.u32 s3, s2;
	s2 =	simm.s32 $0x0  }
0x6: {  	s6 =	smul.u32 $0x13C00, s6;
	s30 =	ssub.s32 $0x2, s3;
	s7 =	sshll.u32 s5, $0x7  }
0x7: {  	s3 =	sadd.s32 $0xC400, s4;
	s5 =	smul.u32 $0x4E2, s5;
	s7 =	sand.u32 $0x380, s7  }
0x8: {  	[smem:$0x7FF] =	sst s2;
	s31 =	sshrl.u32 s30, $0x1;
	s6 =	sor.u32 s6, s7  }
0x9: {  	_ =	strace $0x80000047;
	s5 =	sadd.s32 s5, s4;
	s6 =	sshrl.u32 s6, $0x3  }
0xa: {  	s7 =	ssub.s32 s30, s31;
	s6 =	sadd.s32 s6, s4;
	s4 =	sadd.s32 $0x2600, s5  }
0xb: {  	v0 =	vimm.f32 $1.000000000e+00;
	s5 =	sadd.s32 $0xCA00, s6;
	s6 =	smax.u32 s7, $0x1;
	s7 =	simm.s32 $0x2780  }
.LBB2_1:
0xc: {  	[tilespmem:s7], [sflag:$0x1] =	stream.linear.gather [hbm4b:s3+s2], $0x2780, $0x38;
	[tilespmem:$0x4F00] =	vst v63  }
0xd: {  	_ =	swait.ge [sflag:s8], $0x2780  }
0xe: {  	[sflag:s8] =	ssyncset.done $0x0  }
0xf: {  	[sflag:s8] =	ssyncadd.s32 $0xFFFFD880  }
0x10: {  	[tilespmem:s2], [sflag:$0x1] =	stream.linear.gather [hbm4b:s4+s2], $0x2710, $0x38;
	[tilespmem:$0x4F00] =	vst v63  }
0x11: {  	_ =	swait.ge [sflag:s8], $0x2710  }
0x12: {  	[sflag:s8] =	ssyncset.done $0x0  }
0x13: {  	s13 =	simm.s32 $0x0;
	s12 =	simm.s32 $0x40;
	[sflag:s8] =	ssyncadd.s32 $0xFFFFD8F0  }
.LBB2_2:
0x14: {  	p0 =	sne.s32 s12, $0x9C00;
	v1 =	vld [tilespmem:s13+$0x0];
	_ =	sdelay $0x3  }
.Ltmp0:
0x15: {  	(pc) =	sbr.rel @p0 .LBB2_2-.Ltmp0, $2  }
0x16: {  	_ =	sdelay $0x2  }
0x17: {  	s13 =	sshra.s32 s12, $0x2;
	s12 =	sadd.s32 $0x40, s12;
	[tilespmem:v1+s7+$0x0] =	vst.idx.add.f32.msk $0xffff, v0  }
0x18: {  	v1 =	vld [tilespmem:s13+$0x0];
	_ =	sdelay $0x5  }
0x19: {  	s11 =	sadd.s32 $0x1, s11  }
0x1a: {  	p0 =	sne.s32 s11, s6  }
.Ltmp1:
0x1b: {  	[tilespmem:v1+s7+$0x0] =	vst.idx.add.f32.msk $0xffff, v0;
	(pc) =	sbr.rel @p0 .LBB2_1-.Ltmp1, $4  }
0x1c: {  	[hbm4b:s5+s9] =	stream.strided.scatter [tilespmem:s7], [sflag:$0x1], $0x2780, s10, s9, $0x38;
	[tilespmem:$0x4F00] =	vst v63  }
0x1d: {  	_ =	swait.ge [sflag:s8], $0x2780  }
0x1e: {  	[sflag:s8] =	ssyncset.done $0x0  }
0x1f: {  	[sflag:s8] =	ssyncadd.s32 $0xFFFFD880  }
0x20: {  	_ =	sfence.sel $0x180000  }
0x21: {  	[bflag:$0x0] =	sbarrier.arrive $0xFFFF  }
0x22: {  	p0 =	sne.s32 s0, $0x0;
	_ =	strace $0x90000047  }
0x23: {  	s0 =	sadd.s32 @!p0 $0x100000, s1;
	[bflag:$0x2] =	sbarrier.arrive $0xFFFF  }
0x24: {  	[sflag:s0] =	ssyncadd.tile.s32 @!p0 $0x1;
	_ =	shalt  }
.Lfunc_end2:
_tile_overlayer_lowered:
.L_overlay_start_2:
0x25: {  	(tag) =	ssettag $0x2  }
0x26: {  	s0 =	rddreg [dreg:$0x0];
	s2 =	stileid.u32  }
0x27: {  	s1 =	rddreg [dreg:$0x1];
	p0 =	sne.s32 s2, $0x0  }
0x28: {  	s3 =	rddreg [dreg:$0x2];
	[bflag:$0x3] =	sbarrier.arrive $0xFFFF;
	s2 =	simm.s32 @!p0 $0x1C01  }
0x29: {  	[timem:s3], [sflag:s2] =	dma.local @!p0 [hbm:s0], s1  }
0x2a: {  	s0 =	simm.s32 @!p0 $0x1  }
0x2b: {  	_ =	swait.ge @!p0 [sflag:s0], s1  }
0x2c: {  	s1 =	ssub.s32 @!p0 $0x0, s1;
	[sflag:s0] =	ssyncset.done @!p0 $0x0  }
0x2d: {  	[sflag:s0] =	ssyncadd.s32 @!p0 s1  }
0x2e: {  	[bflag:$0x3] =	sbarrier.arrive $0xFFFF  }
0x2f: {  	_ =	shalt  }

</sc_bundles>
